<compile_context>
chip_gen: v7x
topology: tpu7x:2x2x1
jax: 0.10.2.dev20260603
libtpu: 0.0.44.dev20260713+nightly
codegen_flags: <defaults>
</compile_context>

<pallas_src>
import functools

import jax
import jax.numpy as jnp
from jax import lax
from jax.experimental import pallas as pl
from jax.experimental.pallas import tpu as pltpu
from jax.experimental.pallas import tpu_sc as plsc

_NC, _NS, _L = 2, 16, 16
_NW = _NC * _NS
_BSZ, _SEQ, _D = 4, 2048, 4096
_ROWS = _BSZ * _SEQ
_CH = 8
_NF = _D // _L
_WPB = _NW // _BSZ


@functools.cache
def _chain_chunks():
    import contextlib
    import numpy as np
    try:
        ctx = jax.default_device(jax.local_devices(backend="cpu")[0])
    except Exception:
        ctx = contextlib.nullcontext()
    with ctx, jax.ensure_compile_time_eval():
        base = jax.random.key(0)
        kperm = jax.random.fold_in(base, 1)
        kmask = jax.random.fold_in(base, 2)
        perm = np.asarray(jax.random.permutation(kperm, _SEQ))
        area_mask = np.asarray(jax.random.bernoulli(
            kmask, 0.5, (_BSZ, _D)).astype(jnp.float32))

    visited = np.zeros(_SEQ, dtype=bool)
    chunks = []
    for start in range(_SEQ):
        if visited[start]:
            continue
        cyc = []
        s = start
        while not visited[s]:
            visited[s] = True
            cyc.append(s)
            s = int(perm[s])
        lcyc = len(cyc)
        walk = lcyc + (-lcyc % _CH)
        for c0 in range(0, walk, _CH):
            chunks.append([cyc[(c0 + t) % lcyc] for t in range(_CH + 1)])
    ncb = len(chunks)
    ncb_pad = ncb + (-ncb % (2 * _WPB))
    chunks = chunks + chunks[:ncb_pad - ncb]
    nchw = ncb_pad // _WPB
    stride = nchw + (-nchw % 8)
    gidx = np.zeros((_NW * stride, _CH + 1), dtype=np.int32)
    for w in range(_NW):
        b = w // _WPB
        off = b * _SEQ
        wslice = chunks[(w % _WPB) * nchw:(w % _WPB + 1) * nchw]
        for i in range(stride):
            ch = wslice[min(i, nchw - 1)]
            gidx[w * stride + i] = [off + v for v in ch]
    return (gidx[:, :_CH].copy(), gidx[:, _CH:].copy(), area_mask,
            ncb_pad, stride)

_NCB = 272
_NCHW = _NCB // _WPB
_IDXSTRIDE = _NCHW + (-_NCHW % 8)


def _sc_body(x_hbm, gidx_hbm, ovidx_hbm, mask_hbm, out_hbm,
             idx_v, ovidx_v, mask_v, cbuf_a, cbuf_b, ovb,
             sem_ga, sem_gb, sem_v, sem_oa, sem_ob):
    cbufs = (cbuf_a, cbuf_b)
    sem_g = (sem_ga, sem_gb)
    sem_o = (sem_oa, sem_ob)

    wid = lax.axis_index("s") * _NC + lax.axis_index("c")
    batch = wid // _WPB
    wc0 = wid * _IDXSTRIDE

    pltpu.sync_copy(gidx_hbm.at[pl.ds(wc0, _IDXSTRIDE)], idx_v)
    pltpu.sync_copy(ovidx_hbm.at[pl.ds(wc0, _IDXSTRIDE)], ovidx_v)
    pltpu.sync_copy(mask_hbm.at[batch], mask_v)

    def patch(cb, ovb):
        @plsc.parallel_loop(0, _NF, unroll=2)
        def feat(f):
            m = mask_v[pl.ds(f * _L, _L)]
            pred = m < 0.5
            col = lax.iota(jnp.int32, _L) + f * _L
            gs = [cb[k + 1, pl.ds(f * _L, _L)] for k in range(_CH - 1)]
            gs.append(ovb[0, pl.ds(f * _L, _L)])
            for k in range(_CH):
                row = jnp.full((_L,), k, dtype=jnp.int32)
                plsc.store_scatter(cb, [row, col], gs[k], mask=pred)

    def gather_idx(c):
        return idx_v.at[c]

    def scat_idx(c):
        return idx_v.at[c]

    def issue_gather(c, bs):
        pltpu.async_copy(x_hbm.at[gather_idx(c)], cbufs[bs], sem_g[bs])

    def issue_ov(c):
        pltpu.async_copy(x_hbm.at[ovidx_v.at[c]], ovb, sem_v)

    issue_gather(0, 0)
    issue_ov(0)

    def pair(i, carry):
        for bs in (0, 1):
            c = 2 * i + bs
            nb = 1 - bs
            pltpu.make_async_copy(
                x_hbm.at[gather_idx(c)], cbufs[bs], sem_g[bs]).wait()

            @pl.when(c + 1 < _NCHW)
            def _issue_next_main():
                @pl.when(c >= 1)
                def _drain_prev_out():
                    pltpu.make_async_copy(
                        cbufs[nb],
                        out_hbm.at[scat_idx(c - 1)], sem_o[nb]).wait()
                issue_gather(c + 1, nb)

            pltpu.make_async_copy(
                x_hbm.at[ovidx_v.at[c]], ovb, sem_v).wait()
            patch(cbufs[bs], ovb)
            pltpu.async_copy(cbufs[bs], out_hbm.at[scat_idx(c)], sem_o[bs])

            @pl.when(c + 1 < _NCHW)
            def _issue_next_ov():
                issue_ov(c + 1)
        return carry

    lax.fori_loop(0, _NCHW // 2, pair, 0)

    pltpu.make_async_copy(cbufs[0],
                          out_hbm.at[scat_idx(_NCHW - 2)], sem_o[0]).wait()
    pltpu.make_async_copy(cbufs[1],
                          out_hbm.at[scat_idx(_NCHW - 1)], sem_o[1]).wait()


@functools.cache
def _build():
    mesh = plsc.VectorSubcoreMesh(core_axis_name="c", subcore_axis_name="s")
    return pl.kernel(
        _sc_body,
        out_type=jax.ShapeDtypeStruct((_ROWS, _D), jnp.float32),
        mesh=mesh,
        scratch_types=[
            pltpu.VMEM((_IDXSTRIDE, _CH), jnp.int32),
            pltpu.VMEM((_IDXSTRIDE, 1), jnp.int32),
            pltpu.VMEM((_D,), jnp.float32),
            pltpu.VMEM((_CH, _D), jnp.float32),
            pltpu.VMEM((_CH, _D), jnp.float32),
            pltpu.VMEM((1, _D), jnp.float32),
            pltpu.SemaphoreType.DMA,
            pltpu.SemaphoreType.DMA,
            pltpu.SemaphoreType.DMA,
            pltpu.SemaphoreType.DMA,
            pltpu.SemaphoreType.DMA,
        ],
        compiler_params=pltpu.CompilerParams(
            use_tc_tiling_on_sc=True, needs_layout_passes=False),
    )


def kernel(x):
    bsz, seqlen, d = x.shape
    gidx, ovidx, mask, ncb, stride = _chain_chunks()
    assert ncb == _NCB and stride == _IDXSTRIDE
    x2 = x.reshape(bsz * seqlen, d)
    out2 = _build()(x2, gidx, ovidx, mask)
    return out2.reshape(bsz, seqlen, d)

# --- scband reference (transcript-rebuilt; emitter-appended) ---
"""Pipeline reference for scband-soft-perm-fast-77936476553328 (READ-ONLY COPY).

The authoritative reference and input builder live on the scoring server;
editing this copy changes nothing except your own understanding.
"""

import jax, jax.numpy as jnp
import numpy as np

P_FEAT = 0.5
MAXLEN = 2048

def setup_inputs(seed: int = 0) -> dict:
    key = jax.random.key(seed)
    x = jax.random.normal(key, (4, 2048, 4096), dtype=jnp.float32)
    return {"x": x}

def reference(x):
    # SoftPerm_Fast forward in training mode with p_feat > 0.
    bsz, seqlen, d = x.shape
    base = jax.random.key(0)
    kperm = jax.random.fold_in(base, 1)
    kmask = jax.random.fold_in(base, 2)
    # torch.multinomial(uniform_w, seqlen) without replacement over maxlen==seqlen
    # weights == a uniform random permutation of [0, seqlen).
    permutation = jax.random.permutation(kperm, seqlen)
    # gather along the sequence axis (SparseCore-style gather)
    x_perm = jnp.take(x, permutation, axis=1)
    # Bernoulli(1 - p_feat) mask over (batch, feature) dims
    area_mask = jax.random.bernoulli(kmask, 1.0 - P_FEAT, (bsz, d)).astype(x.dtype)
    area_mask = area_mask[:, None, :]
    out = area_mask * x + (1.0 - area_mask) * x_perm
    return out

if __name__ == "__main__":
    import jax
    _d = setup_inputs()
    print(jax.jit(kernel)(*tuple(_d.values())))

</pallas_src>

<mosaic_0001>
#map = affine_map<(d0, d1) -> (0, 0)>
module attributes {stable_mosaic.version = 14 : i64} {
  func.func @_sc_body(%arg0: i32, %arg1: i32, %arg2: memref<8192x4096xf32, #tpu.memory_space<hbm>>, %arg3: memref<1280x8xi32, #tpu.memory_space<hbm>>, %arg4: memref<1280x1xi32, #tpu.memory_space<hbm>>, %arg5: memref<4x4096xf32, #tpu.memory_space<hbm>>, %arg6: memref<8192x4096xf32, #tpu.memory_space<hbm>>, %arg7: memref<40x8xi32, #tpu.memory_space<vmem>>, %arg8: memref<40x1xi32, #tpu.memory_space<vmem>>, %arg9: memref<4096xf32, #tpu.memory_space<vmem>>, %arg10: memref<8x4096xf32, #tpu.memory_space<vmem>>, %arg11: memref<8x4096xf32, #tpu.memory_space<vmem>>, %arg12: memref<1x4096xf32, #tpu.memory_space<vmem>>, %arg13: memref<!tpu.dma_semaphore, #tpu.memory_space<semaphore_mem>>, %arg14: memref<!tpu.dma_semaphore, #tpu.memory_space<semaphore_mem>>, %arg15: memref<!tpu.dma_semaphore, #tpu.memory_space<semaphore_mem>>, %arg16: memref<!tpu.dma_semaphore, #tpu.memory_space<semaphore_mem>>, %arg17: memref<!tpu.dma_semaphore, #tpu.memory_space<semaphore_mem>>) attributes {dimension_semantics = [#tpu.dimension_semantics<core_parallel>, #tpu.dimension_semantics<subcore_parallel>], iteration_bounds = array<i64: 2, 16>, scalar_prefetch = 0 : i64, scratch_operands = 11 : i64, tpu.core_type = #tpu.core_type<sc_vector_subcore>, window_params = [{transform_indices = #map}, {transform_indices = #map}, {transform_indices = #map}, {transform_indices = #map}, {transform_indices = #map}]} {
    %mul3A = arith.constant 2 : i32
    %mul3A_0 = arith.muli %arg1, %mul3A : i32
    %add3A = arith.addi %mul3A_0, %arg0 : i32
    %jit3A = arith.constant 8 : i32
    %div3A = arith.divsi %add3A, %jit3A : i32
    %sign3A = arith.constant 0 : i32
    %sign3A_1 = arith.cmpi sgt, %add3A, %sign3A : i32
    %sign3A_2 = arith.extui %sign3A_1 : i1 to i32
    %sign3A_3 = arith.constant 0 : i32
    %sign3A_4 = arith.cmpi slt, %add3A, %sign3A_3 : i32
    %sign3A_5 = arith.extui %sign3A_4 : i1 to i32
    %sign3A_6 = arith.subi %sign3A_2, %sign3A_5 : i32
    %sign3A_7 = arith.constant 0 : i32
    %sign3A_8 = arith.cmpi sgt, %jit3A, %sign3A_7 : i32
    %sign3A_9 = arith.extui %sign3A_8 : i1 to i32
    %sign3A_10 = arith.constant 0 : i32
    %sign3A_11 = arith.cmpi slt, %jit3A, %sign3A_10 : i32
    %sign3A_12 = arith.extui %sign3A_11 : i1 to i32
    %sign3A_13 = arith.subi %sign3A_9, %sign3A_12 : i32
    %ne3A = arith.cmpi ne, %sign3A_6, %sign3A_13 : i32
    %rem3A = arith.remsi %add3A, %jit3A : i32
    %ne3A_14 = arith.constant 0 : i32
    %ne3A_15 = arith.cmpi ne, %rem3A, %ne3A_14 : i32
    %and3A = arith.andi %ne3A, %ne3A_15 : i1
    %sub3A = arith.constant 1 : i32
    %sub3A_16 = arith.subi %div3A, %sub3A : i32
    %select_n3A = arith.select %and3A, %sub3A_16, %div3A : i32
    %mul3A_17 = arith.constant 40 : i32
    %mul3A_18 = arith.muli %add3A, %mul3A_17 : i32
    "tpu.region"() ({
      %run_scoped3A = tpu.sem_alloc : memref<!tpu.dma_semaphore, #tpu.memory_space<semaphore_mem>>
      %dma_start3A_50 = arith.constant 0 : i32
      %dma_start3A_51 = tpu.memref_slice %arg3[%mul3A_18, %dma_start3A_50] : memref<1280x8xi32, #tpu.memory_space<hbm>> -> memref<40x8xi32, #tpu.memory_space<hbm>>
      %dma_start3A_52 = arith.constant 0 : i32
      %dma_start3A_53 = tpu.memref_slice %arg3[%mul3A_18, %dma_start3A_52] : memref<1280x8xi32, #tpu.memory_space<hbm>> -> memref<40x8xi32, #tpu.memory_space<hbm>>
      tpu.enqueue_dma source(%dma_start3A_53 : memref<40x8xi32, #tpu.memory_space<hbm>>) target(%arg7 : memref<40x8xi32, #tpu.memory_space<vmem>>) target_semaphore(%run_scoped3A : memref<!tpu.dma_semaphore, #tpu.memory_space<semaphore_mem>>)
      %dma_wait3A_54 = arith.constant 0 : i32
      %dma_wait3A_55 = tpu.memref_slice %arg3[%mul3A_18, %dma_wait3A_54] : memref<1280x8xi32, #tpu.memory_space<hbm>> -> memref<40x8xi32, #tpu.memory_space<hbm>>
      %dma_wait3A_56 = arith.constant 0 : i32
      %dma_wait3A_57 = tpu.memref_slice %arg3[%mul3A_18, %dma_wait3A_56] : memref<1280x8xi32, #tpu.memory_space<hbm>> -> memref<40x8xi32, #tpu.memory_space<hbm>>
      tpu.wait_dma2 semaphore(%run_scoped3A : memref<!tpu.dma_semaphore, #tpu.memory_space<semaphore_mem>>) src(%dma_wait3A_57 : memref<40x8xi32, #tpu.memory_space<hbm>>) dst(%arg7 : memref<40x8xi32, #tpu.memory_space<vmem>>)
      tpu.yield
    }) : () -> ()
    "tpu.region"() ({
      %run_scoped3A = tpu.sem_alloc : memref<!tpu.dma_semaphore, #tpu.memory_space<semaphore_mem>>
      %dma_start3A_50 = arith.constant 0 : i32
      %dma_start3A_51 = tpu.memref_slice %arg4[%mul3A_18, %dma_start3A_50] : memref<1280x1xi32, #tpu.memory_space<hbm>> -> memref<40x1xi32, #tpu.memory_space<hbm>>
      %dma_start3A_52 = arith.constant 0 : i32
      %dma_start3A_53 = tpu.memref_slice %arg4[%mul3A_18, %dma_start3A_52] : memref<1280x1xi32, #tpu.memory_space<hbm>> -> memref<40x1xi32, #tpu.memory_space<hbm>>
      tpu.enqueue_dma source(%dma_start3A_53 : memref<40x1xi32, #tpu.memory_space<hbm>>) target(%arg8 : memref<40x1xi32, #tpu.memory_space<vmem>>) target_semaphore(%run_scoped3A : memref<!tpu.dma_semaphore, #tpu.memory_space<semaphore_mem>>)
      %dma_wait3A_54 = arith.constant 0 : i32
      %dma_wait3A_55 = tpu.memref_slice %arg4[%mul3A_18, %dma_wait3A_54] : memref<1280x1xi32, #tpu.memory_space<hbm>> -> memref<40x1xi32, #tpu.memory_space<hbm>>
      %dma_wait3A_56 = arith.constant 0 : i32
      %dma_wait3A_57 = tpu.memref_slice %arg4[%mul3A_18, %dma_wait3A_56] : memref<1280x1xi32, #tpu.memory_space<hbm>> -> memref<40x1xi32, #tpu.memory_space<hbm>>
      tpu.wait_dma2 semaphore(%run_scoped3A : memref<!tpu.dma_semaphore, #tpu.memory_space<semaphore_mem>>) src(%dma_wait3A_57 : memref<40x1xi32, #tpu.memory_space<hbm>>) dst(%arg8 : memref<40x1xi32, #tpu.memory_space<vmem>>)
      tpu.yield
    }) : () -> ()
    "tpu.region"() ({
      %run_scoped3A = tpu.sem_alloc : memref<!tpu.dma_semaphore, #tpu.memory_space<semaphore_mem>>
      %dma_start3A_50 = arith.constant 0 : i32
      %dma_start3A_51 = tpu.memref_slice %arg5[%select_n3A, %dma_start3A_50] : memref<4x4096xf32, #tpu.memory_space<hbm>> -> memref<1x4096xf32, #tpu.memory_space<hbm>>
      %dma_start3A_52 = tpu.memref_squeeze %dma_start3A_51 : memref<1x4096xf32, #tpu.memory_space<hbm>> -> memref<4096xf32, #tpu.memory_space<hbm>>
      %dma_start3A_53 = arith.constant 0 : i32
      %dma_start3A_54 = tpu.memref_slice %arg5[%select_n3A, %dma_start3A_53] : memref<4x4096xf32, #tpu.memory_space<hbm>> -> memref<1x4096xf32, #tpu.memory_space<hbm>>
      %dma_start3A_55 = tpu.memref_squeeze %dma_start3A_54 : memref<1x4096xf32, #tpu.memory_space<hbm>> -> memref<4096xf32, #tpu.memory_space<hbm>>
      tpu.enqueue_dma source(%dma_start3A_55 : memref<4096xf32, #tpu.memory_space<hbm>>) target(%arg9 : memref<4096xf32, #tpu.memory_space<vmem>>) target_semaphore(%run_scoped3A : memref<!tpu.dma_semaphore, #tpu.memory_space<semaphore_mem>>)
      %dma_wait3A_56 = arith.constant 0 : i32
      %dma_wait3A_57 = tpu.memref_slice %arg5[%select_n3A, %dma_wait3A_56] : memref<4x4096xf32, #tpu.memory_space<hbm>> -> memref<1x4096xf32, #tpu.memory_space<hbm>>
      %dma_wait3A_58 = tpu.memref_squeeze %dma_wait3A_57 : memref<1x4096xf32, #tpu.memory_space<hbm>> -> memref<4096xf32, #tpu.memory_space<hbm>>
      %dma_wait3A_59 = arith.constant 0 : i32
      %dma_wait3A_60 = tpu.memref_slice %arg5[%select_n3A, %dma_wait3A_59] : memref<4x4096xf32, #tpu.memory_space<hbm>> -> memref<1x4096xf32, #tpu.memory_space<hbm>>
      %dma_wait3A_61 = tpu.memref_squeeze %dma_wait3A_60 : memref<1x4096xf32, #tpu.memory_space<hbm>> -> memref<4096xf32, #tpu.memory_space<hbm>>
      tpu.wait_dma2 semaphore(%run_scoped3A : memref<!tpu.dma_semaphore, #tpu.memory_space<semaphore_mem>>) src(%dma_wait3A_61 : memref<4096xf32, #tpu.memory_space<hbm>>) dst(%arg9 : memref<4096xf32, #tpu.memory_space<vmem>>)
      tpu.yield
    }) : () -> ()
    %dma_start3A = arith.constant 0 : i32
    %dma_start3A_19 = arith.constant 0 : i32
    %dma_start3A_20 = tpu.memref_slice %arg7[%dma_start3A, %dma_start3A_19] : memref<40x8xi32, #tpu.memory_space<vmem>> -> memref<1x8xi32, #tpu.memory_space<vmem>>
    %dma_start3A_21 = tpu.memref_squeeze %dma_start3A_20 : memref<1x8xi32, #tpu.memory_space<vmem>> -> memref<8xi32, #tpu.memory_space<vmem>>
    %dma_start3A_22 = arith.constant 0 : i32
    %dma_start3A_23 = arith.constant 0 : i32
    %dma_start3A_24 = tpu.memref_slice %arg2[%dma_start3A_22, %dma_start3A_23] : memref<8192x4096xf32, #tpu.memory_space<hbm>> -> memref<8192x4096xf32, #tpu.memory_space<hbm>>
    tpu.enqueue_indirect_dma source(%dma_start3A_24 : memref<8192x4096xf32, #tpu.memory_space<hbm>>) target(%arg10 : memref<8x4096xf32, #tpu.memory_space<vmem>>) offsets(%dma_start3A_21 : memref<8xi32, #tpu.memory_space<vmem>>) semaphore(%arg13 : memref<!tpu.dma_semaphore, #tpu.memory_space<semaphore_mem>>)
    %dma_start3A_25 = arith.constant 0 : i32
    %dma_start3A_26 = arith.constant 0 : i32
    %dma_start3A_27 = tpu.memref_slice %arg8[%dma_start3A_25, %dma_start3A_26] : memref<40x1xi32, #tpu.memory_space<vmem>> -> memref<1x1xi32, #tpu.memory_space<vmem>>
    %dma_start3A_28 = tpu.memref_squeeze %dma_start3A_27 : memref<1x1xi32, #tpu.memory_space<vmem>> -> memref<1xi32, #tpu.memory_space<vmem>>
    %dma_start3A_29 = arith.constant 0 : i32
    %dma_start3A_30 = arith.constant 0 : i32
    %dma_start3A_31 = tpu.memref_slice %arg2[%dma_start3A_29, %dma_start3A_30] : memref<8192x4096xf32, #tpu.memory_space<hbm>> -> memref<8192x4096xf32, #tpu.memory_space<hbm>>
    tpu.enqueue_indirect_dma source(%dma_start3A_31 : memref<8192x4096xf32, #tpu.memory_space<hbm>>) target(%arg12 : memref<1x4096xf32, #tpu.memory_space<vmem>>) offsets(%dma_start3A_28 : memref<1xi32, #tpu.memory_space<vmem>>) semaphore(%arg15 : memref<!tpu.dma_semaphore, #tpu.memory_space<semaphore_mem>>)
    %scan3A = arith.constant 0 : i32
    %scan3A_32 = arith.constant 0 : i32
    %scan3A_33 = arith.constant 17 : i32
    %scan3A_34 = arith.addi %scan3A_32, %scan3A_33 : i32
    %scan3A_35 = arith.constant 1 : i32
    scf.for %scan3A_50 = %scan3A_32 to %scan3A_34 step %scan3A_35  : i32 {
      %mul3A_51 = arith.constant 2 : i32
      %mul3A_52 = arith.muli %mul3A_51, %scan3A_50 : i32
      %add3A_53 = arith.constant 0 : i32
      %add3A_54 = arith.addi %mul3A_52, %add3A_53 : i32
      %dma_wait3A_55 = arith.constant 0 : i32
      %dma_wait3A_56 = tpu.memref_slice %arg7[%add3A_54, %dma_wait3A_55] : memref<40x8xi32, #tpu.memory_space<vmem>> -> memref<1x8xi32, #tpu.memory_space<vmem>>
      %dma_wait3A_57 = tpu.memref_squeeze %dma_wait3A_56 : memref<1x8xi32, #tpu.memory_space<vmem>> -> memref<8xi32, #tpu.memory_space<vmem>>
      %dma_wait3A_58 = arith.constant 0 : i32
      %dma_wait3A_59 = arith.constant 0 : i32
      %dma_wait3A_60 = tpu.memref_slice %arg2[%dma_wait3A_58, %dma_wait3A_59] : memref<8192x4096xf32, #tpu.memory_space<hbm>> -> memref<8192x4096xf32, #tpu.memory_space<hbm>>
      tpu.wait_indirect_dma semaphore(%arg13 : memref<!tpu.dma_semaphore, #tpu.memory_space<semaphore_mem>>) src(%dma_wait3A_60 : memref<8192x4096xf32, #tpu.memory_space<hbm>>) dst(%arg10 : memref<8x4096xf32, #tpu.memory_space<vmem>>)
      %add3A_61 = arith.constant 1 : i32
      %add3A_62 = arith.addi %add3A_54, %add3A_61 : i32
      %lt3A = arith.constant 34 : i32
      %lt3A_63 = arith.cmpi slt, %add3A_62, %lt3A : i32
      %convert_element_type3A = arith.extui %lt3A_63 : i1 to i32
      %cond3A = arith.constant 0 : i32
      %cond3A_64 = arith.cmpi ne, %convert_element_type3A, %cond3A : i32
      scf.if %cond3A_64 {
        %ge3A = arith.constant 1 : i32
        %ge3A_125 = arith.cmpi sge, %add3A_54, %ge3A : i32
        %convert_element_type3A_126 = arith.extui %ge3A_125 : i1 to i32
        %cond3A_127 = arith.constant 0 : i32
        %cond3A_128 = arith.cmpi ne, %convert_element_type3A_126, %cond3A_127 : i32
        scf.if %cond3A_128 {
          %sub3A_137 = arith.constant 1 : i32
          %sub3A_138 = arith.subi %add3A_54, %sub3A_137 : i32
          %dma_wait3A_139 = arith.constant 0 : i32
          %dma_wait3A_140 = tpu.memref_slice %arg7[%sub3A_138, %dma_wait3A_139] : memref<40x8xi32, #tpu.memory_space<vmem>> -> memref<1x8xi32, #tpu.memory_space<vmem>>
          %dma_wait3A_141 = tpu.memref_squeeze %dma_wait3A_140 : memref<1x8xi32, #tpu.memory_space<vmem>> -> memref<8xi32, #tpu.memory_space<vmem>>
          %dma_wait3A_142 = arith.constant 0 : i32
          %dma_wait3A_143 = arith.constant 0 : i32
          %dma_wait3A_144 = tpu.memref_slice %arg6[%dma_wait3A_142, %dma_wait3A_143] : memref<8192x4096xf32, #tpu.memory_space<hbm>> -> memref<8192x4096xf32, #tpu.memory_space<hbm>>
          tpu.wait_indirect_dma semaphore(%arg17 : memref<!tpu.dma_semaphore, #tpu.memory_space<semaphore_mem>>) src(%arg11 : memref<8x4096xf32, #tpu.memory_space<vmem>>) dst(%dma_wait3A_144 : memref<8192x4096xf32, #tpu.memory_space<hbm>>)
        } else {
        }
        %add3A_129 = arith.constant 1 : i32
        %add3A_130 = arith.addi %add3A_54, %add3A_129 : i32
        %dma_start3A_131 = arith.constant 0 : i32
        %dma_start3A_132 = tpu.memref_slice %arg7[%add3A_130, %dma_start3A_131] : memref<40x8xi32, #tpu.memory_space<vmem>> -> memref<1x8xi32, #tpu.memory_space<vmem>>
        %dma_start3A_133 = tpu.memref_squeeze %dma_start3A_132 : memref<1x8xi32, #tpu.memory_space<vmem>> -> memref<8xi32, #tpu.memory_space<vmem>>
        %dma_start3A_134 = arith.constant 0 : i32
        %dma_start3A_135 = arith.constant 0 : i32
        %dma_start3A_136 = tpu.memref_slice %arg2[%dma_start3A_134, %dma_start3A_135] : memref<8192x4096xf32, #tpu.memory_space<hbm>> -> memref<8192x4096xf32, #tpu.memory_space<hbm>>
        tpu.enqueue_indirect_dma source(%dma_start3A_136 : memref<8192x4096xf32, #tpu.memory_space<hbm>>) target(%arg11 : memref<8x4096xf32, #tpu.memory_space<vmem>>) offsets(%dma_start3A_133 : memref<8xi32, #tpu.memory_space<vmem>>) semaphore(%arg14 : memref<!tpu.dma_semaphore, #tpu.memory_space<semaphore_mem>>)
      } else {
      }
      %dma_wait3A_65 = arith.constant 0 : i32
      %dma_wait3A_66 = tpu.memref_slice %arg8[%add3A_54, %dma_wait3A_65] : memref<40x1xi32, #tpu.memory_space<vmem>> -> memref<1x1xi32, #tpu.memory_space<vmem>>
      %dma_wait3A_67 = tpu.memref_squeeze %dma_wait3A_66 : memref<1x1xi32, #tpu.memory_space<vmem>> -> memref<1xi32, #tpu.memory_space<vmem>>
      %dma_wait3A_68 = arith.constant 0 : i32
      %dma_wait3A_69 = arith.constant 0 : i32
      %dma_wait3A_70 = tpu.memref_slice %arg2[%dma_wait3A_68, %dma_wait3A_69] : memref<8192x4096xf32, #tpu.memory_space<hbm>> -> memref<8192x4096xf32, #tpu.memory_space<hbm>>
      tpu.wait_indirect_dma semaphore(%arg15 : memref<!tpu.dma_semaphore, #tpu.memory_space<semaphore_mem>>) src(%dma_wait3A_70 : memref<8192x4096xf32, #tpu.memory_space<hbm>>) dst(%arg12 : memref<1x4096xf32, #tpu.memory_space<vmem>>)
      %parallel_loop3A = arith.constant 0 : i32
      %parallel_loop3A_71 = arith.constant 256 : i32
      %parallel_loop3A_72 = arith.constant 1 : i32
      scf.for %parallel_loop3A_125 = %parallel_loop3A to %parallel_loop3A_71 step %parallel_loop3A_72  : i32 {
        %parallel_loop3A_126 = arith.constant 16 : i32
        %parallel_loop3A_127 = arith.muli %parallel_loop3A_125, %parallel_loop3A_126 : i32
        %parallel_loop3A_128 = arith.index_cast %parallel_loop3A_127 : i32 to index
        %parallel_loop3A_129 = tpu.vector_load %arg9[%parallel_loop3A_128] {strides = array<i32>} : memref<4096xf32, #tpu.memory_space<vmem>>, vector<16xf32>,
        %parallel_loop3A_130 = arith.constant 5.000000e-01 : f32
        %parallel_loop3A_131 = vector.broadcast %parallel_loop3A_130 : f32 to vector<16xf32>
        %parallel_loop3A_132 = arith.cmpf olt, %parallel_loop3A_129, %parallel_loop3A_131 : vector<16xf32>
        %parallel_loop3A_133 = tpu.iota {dimensions = array<i32: 0>} : vector<16xi32>
        %parallel_loop3A_134 = arith.constant 16 : i32
        %parallel_loop3A_135 = arith.muli %parallel_loop3A_125, %parallel_loop3A_134 : i32
        %parallel_loop3A_136 = vector.broadcast %parallel_loop3A_135 : i32 to vector<16xi32>
        %parallel_loop3A_137 = arith.addi %parallel_loop3A_133, %parallel_loop3A_136 : vector<16xi32>
        %parallel_loop3A_138 = arith.constant 16 : i32
        %parallel_loop3A_139 = arith.muli %parallel_loop3A_125, %parallel_loop3A_138 : i32
        %parallel_loop3A_140 = arith.constant 1 : i32
        %parallel_loop3A_141 = arith.index_cast %parallel_loop3A_140 : i32 to index
        %parallel_loop3A_142 = arith.index_cast %parallel_loop3A_139 : i32 to index
        %parallel_loop3A_143 = tpu.vector_load %arg10[%parallel_loop3A_141, %parallel_loop3A_142] {strides = array<i32>} : memref<8x4096xf32, #tpu.memory_space<vmem>>, vector<16xf32>,
        %parallel_loop3A_144 = arith.constant 16 : i32
        %parallel_loop3A_145 = arith.muli %parallel_loop3A_125, %parallel_loop3A_144 : i32
        %parallel_loop3A_146 = arith.constant 2 : i32
        %parallel_loop3A_147 = arith.index_cast %parallel_loop3A_146 : i32 to index
        %parallel_loop3A_148 = arith.index_cast %parallel_loop3A_145 : i32 to index
        %parallel_loop3A_149 = tpu.vector_load %arg10[%parallel_loop3A_147, %parallel_loop3A_148] {strides = array<i32>} : memref<8x4096xf32, #tpu.memory_space<vmem>>, vector<16xf32>,
        %parallel_loop3A_150 = arith.constant 16 : i32
        %parallel_loop3A_151 = arith.muli %parallel_loop3A_125, %parallel_loop3A_150 : i32
        %parallel_loop3A_152 = arith.constant 3 : i32
        %parallel_loop3A_153 = arith.index_cast %parallel_loop3A_152 : i32 to index
        %parallel_loop3A_154 = arith.index_cast %parallel_loop3A_151 : i32 to index
        %parallel_loop3A_155 = tpu.vector_load %arg10[%parallel_loop3A_153, %parallel_loop3A_154] {strides = array<i32>} : memref<8x4096xf32, #tpu.memory_space<vmem>>, vector<16xf32>,
        %parallel_loop3A_156 = arith.constant 16 : i32
        %parallel_loop3A_157 = arith.muli %parallel_loop3A_125, %parallel_loop3A_156 : i32
        %parallel_loop3A_158 = arith.constant 4 : i32
        %parallel_loop3A_159 = arith.index_cast %parallel_loop3A_158 : i32 to index
        %parallel_loop3A_160 = arith.index_cast %parallel_loop3A_157 : i32 to index
        %parallel_loop3A_161 = tpu.vector_load %arg10[%parallel_loop3A_159, %parallel_loop3A_160] {strides = array<i32>} : memref<8x4096xf32, #tpu.memory_space<vmem>>, vector<16xf32>,
        %parallel_loop3A_162 = arith.constant 16 : i32
        %parallel_loop3A_163 = arith.muli %parallel_loop3A_125, %parallel_loop3A_162 : i32
        %parallel_loop3A_164 = arith.constant 5 : i32
        %parallel_loop3A_165 = arith.index_cast %parallel_loop3A_164 : i32 to index
        %parallel_loop3A_166 = arith.index_cast %parallel_loop3A_163 : i32 to index
        %parallel_loop3A_167 = tpu.vector_load %arg10[%parallel_loop3A_165, %parallel_loop3A_166] {strides = array<i32>} : memref<8x4096xf32, #tpu.memory_space<vmem>>, vector<16xf32>,
        %parallel_loop3A_168 = arith.constant 16 : i32
        %parallel_loop3A_169 = arith.muli %parallel_loop3A_125, %parallel_loop3A_168 : i32
        %parallel_loop3A_170 = arith.constant 6 : i32
        %parallel_loop3A_171 = arith.index_cast %parallel_loop3A_170 : i32 to index
        %parallel_loop3A_172 = arith.index_cast %parallel_loop3A_169 : i32 to index
        %parallel_loop3A_173 = tpu.vector_load %arg10[%parallel_loop3A_171, %parallel_loop3A_172] {strides = array<i32>} : memref<8x4096xf32, #tpu.memory_space<vmem>>, vector<16xf32>,
        %parallel_loop3A_174 = arith.constant 16 : i32
        %parallel_loop3A_175 = arith.muli %parallel_loop3A_125, %parallel_loop3A_174 : i32
        %parallel_loop3A_176 = arith.constant 7 : i32
        %parallel_loop3A_177 = arith.index_cast %parallel_loop3A_176 : i32 to index
        %parallel_loop3A_178 = arith.index_cast %parallel_loop3A_175 : i32 to index
        %parallel_loop3A_179 = tpu.vector_load %arg10[%parallel_loop3A_177, %parallel_loop3A_178] {strides = array<i32>} : memref<8x4096xf32, #tpu.memory_space<vmem>>, vector<16xf32>,
        %parallel_loop3A_180 = arith.constant 16 : i32
        %parallel_loop3A_181 = arith.muli %parallel_loop3A_125, %parallel_loop3A_180 : i32
        %parallel_loop3A_182 = arith.constant 0 : i32
        %parallel_loop3A_183 = arith.index_cast %parallel_loop3A_182 : i32 to index
        %parallel_loop3A_184 = arith.index_cast %parallel_loop3A_181 : i32 to index
        %parallel_loop3A_185 = tpu.vector_load %arg12[%parallel_loop3A_183, %parallel_loop3A_184] {strides = array<i32>} : memref<1x4096xf32, #tpu.memory_space<vmem>>, vector<16xf32>,
        %parallel_loop3A_186 = arith.constant 0 : i32
        %parallel_loop3A_187 = vector.broadcast %parallel_loop3A_186 : i32 to vector<16xi32>
        tpu.vector_store_idx %arg10[%parallel_loop3A_187, %parallel_loop3A_137], %parallel_loop3A_143 masked %parallel_loop3A_132 : memref<8x4096xf32, #tpu.memory_space<vmem>>[vector<16xi32>, vector<16xi32>], vector<16xf32>, vector<16xi1>
        %parallel_loop3A_188 = arith.constant 1 : i32
        %parallel_loop3A_189 = vector.broadcast %parallel_loop3A_188 : i32 to vector<16xi32>
        tpu.vector_store_idx %arg10[%parallel_loop3A_189, %parallel_loop3A_137], %parallel_loop3A_149 masked %parallel_loop3A_132 : memref<8x4096xf32, #tpu.memory_space<vmem>>[vector<16xi32>, vector<16xi32>], vector<16xf32>, vector<16xi1>
        %parallel_loop3A_190 = arith.constant 2 : i32
        %parallel_loop3A_191 = vector.broadcast %parallel_loop3A_190 : i32 to vector<16xi32>
        tpu.vector_store_idx %arg10[%parallel_loop3A_191, %parallel_loop3A_137], %parallel_loop3A_155 masked %parallel_loop3A_132 : memref<8x4096xf32, #tpu.memory_space<vmem>>[vector<16xi32>, vector<16xi32>], vector<16xf32>, vector<16xi1>
        %parallel_loop3A_192 = arith.constant 3 : i32
        %parallel_loop3A_193 = vector.broadcast %parallel_loop3A_192 : i32 to vector<16xi32>
        tpu.vector_store_idx %arg10[%parallel_loop3A_193, %parallel_loop3A_137], %parallel_loop3A_161 masked %parallel_loop3A_132 : memref<8x4096xf32, #tpu.memory_space<vmem>>[vector<16xi32>, vector<16xi32>], vector<16xf32>, vector<16xi1>
        %parallel_loop3A_194 = arith.constant 4 : i32
        %parallel_loop3A_195 = vector.broadcast %parallel_loop3A_194 : i32 to vector<16xi32>
        tpu.vector_store_idx %arg10[%parallel_loop3A_195, %parallel_loop3A_137], %parallel_loop3A_167 masked %parallel_loop3A_132 : memref<8x4096xf32, #tpu.memory_space<vmem>>[vector<16xi32>, vector<16xi32>], vector<16xf32>, vector<16xi1>
        %parallel_loop3A_196 = arith.constant 5 : i32
        %parallel_loop3A_197 = vector.broadcast %parallel_loop3A_196 : i32 to vector<16xi32>
        tpu.vector_store_idx %arg10[%parallel_loop3A_197, %parallel_loop3A_137], %parallel_loop3A_173 masked %parallel_loop3A_132 : memref<8x4096xf32, #tpu.memory_space<vmem>>[vector<16xi32>, vector<16xi32>], vector<16xf32>, vector<16xi1>
        %parallel_loop3A_198 = arith.constant 6 : i32
        %parallel_loop3A_199 = vector.broadcast %parallel_loop3A_198 : i32 to vector<16xi32>
        tpu.vector_store_idx %arg10[%parallel_loop3A_199, %parallel_loop3A_137], %parallel_loop3A_179 masked %parallel_loop3A_132 : memref<8x4096xf32, #tpu.memory_space<vmem>>[vector<16xi32>, vector<16xi32>], vector<16xf32>, vector<16xi1>
        %parallel_loop3A_200 = arith.constant 7 : i32
        %parallel_loop3A_201 = vector.broadcast %parallel_loop3A_200 : i32 to vector<16xi32>
        tpu.vector_store_idx %arg10[%parallel_loop3A_201, %parallel_loop3A_137], %parallel_loop3A_185 masked %parallel_loop3A_132 : memref<8x4096xf32, #tpu.memory_space<vmem>>[vector<16xi32>, vector<16xi32>], vector<16xf32>, vector<16xi1>
      } {sc.loop_unroll_factor = 2 : i64, sc.parallel_access}
      %dma_start3A_73 = arith.constant 0 : i32
      %dma_start3A_74 = tpu.memref_slice %arg7[%add3A_54, %dma_start3A_73] : memref<40x8xi32, #tpu.memory_space<vmem>> -> memref<1x8xi32, #tpu.memory_space<vmem>>
      %dma_start3A_75 = tpu.memref_squeeze %dma_start3A_74 : memref<1x8xi32, #tpu.memory_space<vmem>> -> memref<8xi32, #tpu.memory_space<vmem>>
      %dma_start3A_76 = arith.constant 0 : i32
      %dma_start3A_77 = arith.constant 0 : i32
      %dma_start3A_78 = tpu.memref_slice %arg6[%dma_start3A_76, %dma_start3A_77] : memref<8192x4096xf32, #tpu.memory_space<hbm>> -> memref<8192x4096xf32, #tpu.memory_space<hbm>>
      tpu.enqueue_indirect_dma source(%arg10 : memref<8x4096xf32, #tpu.memory_space<vmem>>) target(%dma_start3A_78 : memref<8192x4096xf32, #tpu.memory_space<hbm>>) offsets(%dma_start3A_75 : memref<8xi32, #tpu.memory_space<vmem>>) semaphore(%arg16 : memref<!tpu.dma_semaphore, #tpu.memory_space<semaphore_mem>>)
      %add3A_79 = arith.constant 1 : i32
      %add3A_80 = arith.addi %add3A_54, %add3A_79 : i32
      %lt3A_81 = arith.constant 34 : i32
      %lt3A_82 = arith.cmpi slt, %add3A_80, %lt3A_81 : i32
      %convert_element_type3A_83 = arith.extui %lt3A_82 : i1 to i32
      %cond3A_84 = arith.constant 0 : i32
      %cond3A_85 = arith.cmpi ne, %convert_element_type3A_83, %cond3A_84 : i32
      scf.if %cond3A_85 {
        %add3A_125 = arith.constant 1 : i32
        %add3A_126 = arith.addi %add3A_54, %add3A_125 : i32
        %dma_start3A_127 = arith.constant 0 : i32
        %dma_start3A_128 = tpu.memref_slice %arg8[%add3A_126, %dma_start3A_127] : memref<40x1xi32, #tpu.memory_space<vmem>> -> memref<1x1xi32, #tpu.memory_space<vmem>>
        %dma_start3A_129 = tpu.memref_squeeze %dma_start3A_128 : memref<1x1xi32, #tpu.memory_space<vmem>> -> memref<1xi32, #tpu.memory_space<vmem>>
        %dma_start3A_130 = arith.constant 0 : i32
        %dma_start3A_131 = arith.constant 0 : i32
        %dma_start3A_132 = tpu.memref_slice %arg2[%dma_start3A_130, %dma_start3A_131] : memref<8192x4096xf32, #tpu.memory_space<hbm>> -> memref<8192x4096xf32, #tpu.memory_space<hbm>>
        tpu.enqueue_indirect_dma source(%dma_start3A_132 : memref<8192x4096xf32, #tpu.memory_space<hbm>>) target(%arg12 : memref<1x4096xf32, #tpu.memory_space<vmem>>) offsets(%dma_start3A_129 : memref<1xi32, #tpu.memory_space<vmem>>) semaphore(%arg15 : memref<!tpu.dma_semaphore, #tpu.memory_space<semaphore_mem>>)
      } else {
      }
      %mul3A_86 = arith.constant 2 : i32
      %mul3A_87 = arith.muli %mul3A_86, %scan3A_50 : i32
      %add3A_88 = arith.constant 1 : i32
      %add3A_89 = arith.addi %mul3A_87, %add3A_88 : i32
      %dma_wait3A_90 = arith.constant 0 : i32
      %dma_wait3A_91 = tpu.memref_slice %arg7[%add3A_89, %dma_wait3A_90] : memref<40x8xi32, #tpu.memory_space<vmem>> -> memref<1x8xi32, #tpu.memory_space<vmem>>
      %dma_wait3A_92 = tpu.memref_squeeze %dma_wait3A_91 : memref<1x8xi32, #tpu.memory_space<vmem>> -> memref<8xi32, #tpu.memory_space<vmem>>
      %dma_wait3A_93 = arith.constant 0 : i32
      %dma_wait3A_94 = arith.constant 0 : i32
      %dma_wait3A_95 = tpu.memref_slice %arg2[%dma_wait3A_93, %dma_wait3A_94] : memref<8192x4096xf32, #tpu.memory_space<hbm>> -> memref<8192x4096xf32, #tpu.memory_space<hbm>>
      tpu.wait_indirect_dma semaphore(%arg14 : memref<!tpu.dma_semaphore, #tpu.memory_space<semaphore_mem>>) src(%dma_wait3A_95 : memref<8192x4096xf32, #tpu.memory_space<hbm>>) dst(%arg11 : memref<8x4096xf32, #tpu.memory_space<vmem>>)
      %add3A_96 = arith.constant 1 : i32
      %add3A_97 = arith.addi %add3A_89, %add3A_96 : i32
      %lt3A_98 = arith.constant 34 : i32
      %lt3A_99 = arith.cmpi slt, %add3A_97, %lt3A_98 : i32
      %convert_element_type3A_100 = arith.extui %lt3A_99 : i1 to i32
      %cond3A_101 = arith.constant 0 : i32
      %cond3A_102 = arith.cmpi ne, %convert_element_type3A_100, %cond3A_101 : i32
      scf.if %cond3A_102 {
        %ge3A = arith.constant 1 : i32
        %ge3A_125 = arith.cmpi sge, %add3A_89, %ge3A : i32
        %convert_element_type3A_126 = arith.extui %ge3A_125 : i1 to i32
        %cond3A_127 = arith.constant 0 : i32
        %cond3A_128 = arith.cmpi ne, %convert_element_type3A_126, %cond3A_127 : i32
        scf.if %cond3A_128 {
          %sub3A_137 = arith.constant 1 : i32
          %sub3A_138 = arith.subi %add3A_89, %sub3A_137 : i32
          %dma_wait3A_139 = arith.constant 0 : i32
          %dma_wait3A_140 = tpu.memref_slice %arg7[%sub3A_138, %dma_wait3A_139] : memref<40x8xi32, #tpu.memory_space<vmem>> -> memref<1x8xi32, #tpu.memory_space<vmem>>
          %dma_wait3A_141 = tpu.memref_squeeze %dma_wait3A_140 : memref<1x8xi32, #tpu.memory_space<vmem>> -> memref<8xi32, #tpu.memory_space<vmem>>
          %dma_wait3A_142 = arith.constant 0 : i32
          %dma_wait3A_143 = arith.constant 0 : i32
          %dma_wait3A_144 = tpu.memref_slice %arg6[%dma_wait3A_142, %dma_wait3A_143] : memref<8192x4096xf32, #tpu.memory_space<hbm>> -> memref<8192x4096xf32, #tpu.memory_space<hbm>>
          tpu.wait_indirect_dma semaphore(%arg16 : memref<!tpu.dma_semaphore, #tpu.memory_space<semaphore_mem>>) src(%arg10 : memref<8x4096xf32, #tpu.memory_space<vmem>>) dst(%dma_wait3A_144 : memref<8192x4096xf32, #tpu.memory_space<hbm>>)
        } else {
        }
        %add3A_129 = arith.constant 1 : i32
        %add3A_130 = arith.addi %add3A_89, %add3A_129 : i32
        %dma_start3A_131 = arith.constant 0 : i32
        %dma_start3A_132 = tpu.memref_slice %arg7[%add3A_130, %dma_start3A_131] : memref<40x8xi32, #tpu.memory_space<vmem>> -> memref<1x8xi32, #tpu.memory_space<vmem>>
        %dma_start3A_133 = tpu.memref_squeeze %dma_start3A_132 : memref<1x8xi32, #tpu.memory_space<vmem>> -> memref<8xi32, #tpu.memory_space<vmem>>
        %dma_start3A_134 = arith.constant 0 : i32
        %dma_start3A_135 = arith.constant 0 : i32
        %dma_start3A_136 = tpu.memref_slice %arg2[%dma_start3A_134, %dma_start3A_135] : memref<8192x4096xf32, #tpu.memory_space<hbm>> -> memref<8192x4096xf32, #tpu.memory_space<hbm>>
        tpu.enqueue_indirect_dma source(%dma_start3A_136 : memref<8192x4096xf32, #tpu.memory_space<hbm>>) target(%arg10 : memref<8x4096xf32, #tpu.memory_space<vmem>>) offsets(%dma_start3A_133 : memref<8xi32, #tpu.memory_space<vmem>>) semaphore(%arg13 : memref<!tpu.dma_semaphore, #tpu.memory_space<semaphore_mem>>)
      } else {
      }
      %dma_wait3A_103 = arith.constant 0 : i32
      %dma_wait3A_104 = tpu.memref_slice %arg8[%add3A_89, %dma_wait3A_103] : memref<40x1xi32, #tpu.memory_space<vmem>> -> memref<1x1xi32, #tpu.memory_space<vmem>>
      %dma_wait3A_105 = tpu.memref_squeeze %dma_wait3A_104 : memref<1x1xi32, #tpu.memory_space<vmem>> -> memref<1xi32, #tpu.memory_space<vmem>>
      %dma_wait3A_106 = arith.constant 0 : i32
      %dma_wait3A_107 = arith.constant 0 : i32
      %dma_wait3A_108 = tpu.memref_slice %arg2[%dma_wait3A_106, %dma_wait3A_107] : memref<8192x4096xf32, #tpu.memory_space<hbm>> -> memref<8192x4096xf32, #tpu.memory_space<hbm>>
      tpu.wait_indirect_dma semaphore(%arg15 : memref<!tpu.dma_semaphore, #tpu.memory_space<semaphore_mem>>) src(%dma_wait3A_108 : memref<8192x4096xf32, #tpu.memory_space<hbm>>) dst(%arg12 : memref<1x4096xf32, #tpu.memory_space<vmem>>)
      %parallel_loop3A_109 = arith.constant 0 : i32
      %parallel_loop3A_110 = arith.constant 256 : i32
      %parallel_loop3A_111 = arith.constant 1 : i32
      scf.for %parallel_loop3A_125 = %parallel_loop3A_109 to %parallel_loop3A_110 step %parallel_loop3A_111  : i32 {
        %parallel_loop3A_126 = arith.constant 16 : i32
        %parallel_loop3A_127 = arith.muli %parallel_loop3A_125, %parallel_loop3A_126 : i32
        %parallel_loop3A_128 = arith.index_cast %parallel_loop3A_127 : i32 to index
        %parallel_loop3A_129 = tpu.vector_load %arg9[%parallel_loop3A_128] {strides = array<i32>} : memref<4096xf32, #tpu.memory_space<vmem>>, vector<16xf32>,
        %parallel_loop3A_130 = arith.constant 5.000000e-01 : f32
        %parallel_loop3A_131 = vector.broadcast %parallel_loop3A_130 : f32 to vector<16xf32>
        %parallel_loop3A_132 = arith.cmpf olt, %parallel_loop3A_129, %parallel_loop3A_131 : vector<16xf32>
        %parallel_loop3A_133 = tpu.iota {dimensions = array<i32: 0>} : vector<16xi32>
        %parallel_loop3A_134 = arith.constant 16 : i32
        %parallel_loop3A_135 = arith.muli %parallel_loop3A_125, %parallel_loop3A_134 : i32
        %parallel_loop3A_136 = vector.broadcast %parallel_loop3A_135 : i32 to vector<16xi32>
        %parallel_loop3A_137 = arith.addi %parallel_loop3A_133, %parallel_loop3A_136 : vector<16xi32>
        %parallel_loop3A_138 = arith.constant 16 : i32
        %parallel_loop3A_139 = arith.muli %parallel_loop3A_125, %parallel_loop3A_138 : i32
        %parallel_loop3A_140 = arith.constant 1 : i32
        %parallel_loop3A_141 = arith.index_cast %parallel_loop3A_140 : i32 to index
        %parallel_loop3A_142 = arith.index_cast %parallel_loop3A_139 : i32 to index
        %parallel_loop3A_143 = tpu.vector_load %arg11[%parallel_loop3A_141, %parallel_loop3A_142] {strides = array<i32>} : memref<8x4096xf32, #tpu.memory_space<vmem>>, vector<16xf32>,
        %parallel_loop3A_144 = arith.constant 16 : i32
        %parallel_loop3A_145 = arith.muli %parallel_loop3A_125, %parallel_loop3A_144 : i32
        %parallel_loop3A_146 = arith.constant 2 : i32
        %parallel_loop3A_147 = arith.index_cast %parallel_loop3A_146 : i32 to index
        %parallel_loop3A_148 = arith.index_cast %parallel_loop3A_145 : i32 to index
        %parallel_loop3A_149 = tpu.vector_load %arg11[%parallel_loop3A_147, %parallel_loop3A_148] {strides = array<i32>} : memref<8x4096xf32, #tpu.memory_space<vmem>>, vector<16xf32>,
        %parallel_loop3A_150 = arith.constant 16 : i32
        %parallel_loop3A_151 = arith.muli %parallel_loop3A_125, %parallel_loop3A_150 : i32
        %parallel_loop3A_152 = arith.constant 3 : i32
        %parallel_loop3A_153 = arith.index_cast %parallel_loop3A_152 : i32 to index
        %parallel_loop3A_154 = arith.index_cast %parallel_loop3A_151 : i32 to index
        %parallel_loop3A_155 = tpu.vector_load %arg11[%parallel_loop3A_153, %parallel_loop3A_154] {strides = array<i32>} : memref<8x4096xf32, #tpu.memory_space<vmem>>, vector<16xf32>,
        %parallel_loop3A_156 = arith.constant 16 : i32
        %parallel_loop3A_157 = arith.muli %parallel_loop3A_125, %parallel_loop3A_156 : i32
        %parallel_loop3A_158 = arith.constant 4 : i32
        %parallel_loop3A_159 = arith.index_cast %parallel_loop3A_158 : i32 to index
        %parallel_loop3A_160 = arith.index_cast %parallel_loop3A_157 : i32 to index
        %parallel_loop3A_161 = tpu.vector_load %arg11[%parallel_loop3A_159, %parallel_loop3A_160] {strides = array<i32>} : memref<8x4096xf32, #tpu.memory_space<vmem>>, vector<16xf32>,
        %parallel_loop3A_162 = arith.constant 16 : i32
        %parallel_loop3A_163 = arith.muli %parallel_loop3A_125, %parallel_loop3A_162 : i32
        %parallel_loop3A_164 = arith.constant 5 : i32
        %parallel_loop3A_165 = arith.index_cast %parallel_loop3A_164 : i32 to index
        %parallel_loop3A_166 = arith.index_cast %parallel_loop3A_163 : i32 to index
        %parallel_loop3A_167 = tpu.vector_load %arg11[%parallel_loop3A_165, %parallel_loop3A_166] {strides = array<i32>} : memref<8x4096xf32, #tpu.memory_space<vmem>>, vector<16xf32>,
        %parallel_loop3A_168 = arith.constant 16 : i32
        %parallel_loop3A_169 = arith.muli %parallel_loop3A_125, %parallel_loop3A_168 : i32
        %parallel_loop3A_170 = arith.constant 6 : i32
        %parallel_loop3A_171 = arith.index_cast %parallel_loop3A_170 : i32 to index
        %parallel_loop3A_172 = arith.index_cast %parallel_loop3A_169 : i32 to index
        %parallel_loop3A_173 = tpu.vector_load %arg11[%parallel_loop3A_171, %parallel_loop3A_172] {strides = array<i32>} : memref<8x4096xf32, #tpu.memory_space<vmem>>, vector<16xf32>,
        %parallel_loop3A_174 = arith.constant 16 : i32
        %parallel_loop3A_175 = arith.muli %parallel_loop3A_125, %parallel_loop3A_174 : i32
        %parallel_loop3A_176 = arith.constant 7 : i32
        %parallel_loop3A_177 = arith.index_cast %parallel_loop3A_176 : i32 to index
        %parallel_loop3A_178 = arith.index_cast %parallel_loop3A_175 : i32 to index
        %parallel_loop3A_179 = tpu.vector_load %arg11[%parallel_loop3A_177, %parallel_loop3A_178] {strides = array<i32>} : memref<8x4096xf32, #tpu.memory_space<vmem>>, vector<16xf32>,
        %parallel_loop3A_180 = arith.constant 16 : i32
        %parallel_loop3A_181 = arith.muli %parallel_loop3A_125, %parallel_loop3A_180 : i32
        %parallel_loop3A_182 = arith.constant 0 : i32
        %parallel_loop3A_183 = arith.index_cast %parallel_loop3A_182 : i32 to index
        %parallel_loop3A_184 = arith.index_cast %parallel_loop3A_181 : i32 to index
        %parallel_loop3A_185 = tpu.vector_load %arg12[%parallel_loop3A_183, %parallel_loop3A_184] {strides = array<i32>} : memref<1x4096xf32, #tpu.memory_space<vmem>>, vector<16xf32>,
        %parallel_loop3A_186 = arith.constant 0 : i32
        %parallel_loop3A_187 = vector.broadcast %parallel_loop3A_186 : i32 to vector<16xi32>
        tpu.vector_store_idx %arg11[%parallel_loop3A_187, %parallel_loop3A_137], %parallel_loop3A_143 masked %parallel_loop3A_132 : memref<8x4096xf32, #tpu.memory_space<vmem>>[vector<16xi32>, vector<16xi32>], vector<16xf32>, vector<16xi1>
        %parallel_loop3A_188 = arith.constant 1 : i32
        %parallel_loop3A_189 = vector.broadcast %parallel_loop3A_188 : i32 to vector<16xi32>
        tpu.vector_store_idx %arg11[%parallel_loop3A_189, %parallel_loop3A_137], %parallel_loop3A_149 masked %parallel_loop3A_132 : memref<8x4096xf32, #tpu.memory_space<vmem>>[vector<16xi32>, vector<16xi32>], vector<16xf32>, vector<16xi1>
        %parallel_loop3A_190 = arith.constant 2 : i32
        %parallel_loop3A_191 = vector.broadcast %parallel_loop3A_190 : i32 to vector<16xi32>
        tpu.vector_store_idx %arg11[%parallel_loop3A_191, %parallel_loop3A_137], %parallel_loop3A_155 masked %parallel_loop3A_132 : memref<8x4096xf32, #tpu.memory_space<vmem>>[vector<16xi32>, vector<16xi32>], vector<16xf32>, vector<16xi1>
        %parallel_loop3A_192 = arith.constant 3 : i32
        %parallel_loop3A_193 = vector.broadcast %parallel_loop3A_192 : i32 to vector<16xi32>
        tpu.vector_store_idx %arg11[%parallel_loop3A_193, %parallel_loop3A_137], %parallel_loop3A_161 masked %parallel_loop3A_132 : memref<8x4096xf32, #tpu.memory_space<vmem>>[vector<16xi32>, vector<16xi32>], vector<16xf32>, vector<16xi1>
        %parallel_loop3A_194 = arith.constant 4 : i32
        %parallel_loop3A_195 = vector.broadcast %parallel_loop3A_194 : i32 to vector<16xi32>
        tpu.vector_store_idx %arg11[%parallel_loop3A_195, %parallel_loop3A_137], %parallel_loop3A_167 masked %parallel_loop3A_132 : memref<8x4096xf32, #tpu.memory_space<vmem>>[vector<16xi32>, vector<16xi32>], vector<16xf32>, vector<16xi1>
        %parallel_loop3A_196 = arith.constant 5 : i32
        %parallel_loop3A_197 = vector.broadcast %parallel_loop3A_196 : i32 to vector<16xi32>
        tpu.vector_store_idx %arg11[%parallel_loop3A_197, %parallel_loop3A_137], %parallel_loop3A_173 masked %parallel_loop3A_132 : memref<8x4096xf32, #tpu.memory_space<vmem>>[vector<16xi32>, vector<16xi32>], vector<16xf32>, vector<16xi1>
        %parallel_loop3A_198 = arith.constant 6 : i32
        %parallel_loop3A_199 = vector.broadcast %parallel_loop3A_198 : i32 to vector<16xi32>
        tpu.vector_store_idx %arg11[%parallel_loop3A_199, %parallel_loop3A_137], %parallel_loop3A_179 masked %parallel_loop3A_132 : memref<8x4096xf32, #tpu.memory_space<vmem>>[vector<16xi32>, vector<16xi32>], vector<16xf32>, vector<16xi1>
        %parallel_loop3A_200 = arith.constant 7 : i32
        %parallel_loop3A_201 = vector.broadcast %parallel_loop3A_200 : i32 to vector<16xi32>
        tpu.vector_store_idx %arg11[%parallel_loop3A_201, %parallel_loop3A_137], %parallel_loop3A_185 masked %parallel_loop3A_132 : memref<8x4096xf32, #tpu.memory_space<vmem>>[vector<16xi32>, vector<16xi32>], vector<16xf32>, vector<16xi1>
      } {sc.loop_unroll_factor = 2 : i64, sc.parallel_access}
      %dma_start3A_112 = arith.constant 0 : i32
      %dma_start3A_113 = tpu.memref_slice %arg7[%add3A_89, %dma_start3A_112] : memref<40x8xi32, #tpu.memory_space<vmem>> -> memref<1x8xi32, #tpu.memory_space<vmem>>
      %dma_start3A_114 = tpu.memref_squeeze %dma_start3A_113 : memref<1x8xi32, #tpu.memory_space<vmem>> -> memref<8xi32, #tpu.memory_space<vmem>>
      %dma_start3A_115 = arith.constant 0 : i32
      %dma_start3A_116 = arith.constant 0 : i32
      %dma_start3A_117 = tpu.memref_slice %arg6[%dma_start3A_115, %dma_start3A_116] : memref<8192x4096xf32, #tpu.memory_space<hbm>> -> memref<8192x4096xf32, #tpu.memory_space<hbm>>
      tpu.enqueue_indirect_dma source(%arg11 : memref<8x4096xf32, #tpu.memory_space<vmem>>) target(%dma_start3A_117 : memref<8192x4096xf32, #tpu.memory_space<hbm>>) offsets(%dma_start3A_114 : memref<8xi32, #tpu.memory_space<vmem>>) semaphore(%arg17 : memref<!tpu.dma_semaphore, #tpu.memory_space<semaphore_mem>>)
      %add3A_118 = arith.constant 1 : i32
      %add3A_119 = arith.addi %add3A_89, %add3A_118 : i32
      %lt3A_120 = arith.constant 34 : i32
      %lt3A_121 = arith.cmpi slt, %add3A_119, %lt3A_120 : i32
      %convert_element_type3A_122 = arith.extui %lt3A_121 : i1 to i32
      %cond3A_123 = arith.constant 0 : i32
      %cond3A_124 = arith.cmpi ne, %convert_element_type3A_122, %cond3A_123 : i32
      scf.if %cond3A_124 {
        %add3A_125 = arith.constant 1 : i32
        %add3A_126 = arith.addi %add3A_89, %add3A_125 : i32
        %dma_start3A_127 = arith.constant 0 : i32
        %dma_start3A_128 = tpu.memref_slice %arg8[%add3A_126, %dma_start3A_127] : memref<40x1xi32, #tpu.memory_space<vmem>> -> memref<1x1xi32, #tpu.memory_space<vmem>>
        %dma_start3A_129 = tpu.memref_squeeze %dma_start3A_128 : memref<1x1xi32, #tpu.memory_space<vmem>> -> memref<1xi32, #tpu.memory_space<vmem>>
        %dma_start3A_130 = arith.constant 0 : i32
        %dma_start3A_131 = arith.constant 0 : i32
        %dma_start3A_132 = tpu.memref_slice %arg2[%dma_start3A_130, %dma_start3A_131] : memref<8192x4096xf32, #tpu.memory_space<hbm>> -> memref<8192x4096xf32, #tpu.memory_space<hbm>>
        tpu.enqueue_indirect_dma source(%dma_start3A_132 : memref<8192x4096xf32, #tpu.memory_space<hbm>>) target(%arg12 : memref<1x4096xf32, #tpu.memory_space<vmem>>) offsets(%dma_start3A_129 : memref<1xi32, #tpu.memory_space<vmem>>) semaphore(%arg15 : memref<!tpu.dma_semaphore, #tpu.memory_space<semaphore_mem>>)
      } else {
      }
    }
    %scan3A_36 = arith.constant 17 : i32
    %dma_wait3A = arith.constant 32 : i32
    %dma_wait3A_37 = arith.constant 0 : i32
    %dma_wait3A_38 = tpu.memref_slice %arg7[%dma_wait3A, %dma_wait3A_37] : memref<40x8xi32, #tpu.memory_space<vmem>> -> memref<1x8xi32, #tpu.memory_space<vmem>>
    %dma_wait3A_39 = tpu.memref_squeeze %dma_wait3A_38 : memref<1x8xi32, #tpu.memory_space<vmem>> -> memref<8xi32, #tpu.memory_space<vmem>>
    %dma_wait3A_40 = arith.constant 0 : i32
    %dma_wait3A_41 = arith.constant 0 : i32
    %dma_wait3A_42 = tpu.memref_slice %arg6[%dma_wait3A_40, %dma_wait3A_41] : memref<8192x4096xf32, #tpu.memory_space<hbm>> -> memref<8192x4096xf32, #tpu.memory_space<hbm>>
    tpu.wait_indirect_dma semaphore(%arg16 : memref<!tpu.dma_semaphore, #tpu.memory_space<semaphore_mem>>) src(%arg10 : memref<8x4096xf32, #tpu.memory_space<vmem>>) dst(%dma_wait3A_42 : memref<8192x4096xf32, #tpu.memory_space<hbm>>)
    %dma_wait3A_43 = arith.constant 33 : i32
    %dma_wait3A_44 = arith.constant 0 : i32
    %dma_wait3A_45 = tpu.memref_slice %arg7[%dma_wait3A_43, %dma_wait3A_44] : memref<40x8xi32, #tpu.memory_space<vmem>> -> memref<1x8xi32, #tpu.memory_space<vmem>>
    %dma_wait3A_46 = tpu.memref_squeeze %dma_wait3A_45 : memref<1x8xi32, #tpu.memory_space<vmem>> -> memref<8xi32, #tpu.memory_space<vmem>>
    %dma_wait3A_47 = arith.constant 0 : i32
    %dma_wait3A_48 = arith.constant 0 : i32
    %dma_wait3A_49 = tpu.memref_slice %arg6[%dma_wait3A_47, %dma_wait3A_48] : memref<8192x4096xf32, #tpu.memory_space<hbm>> -> memref<8192x4096xf32, #tpu.memory_space<hbm>>
    tpu.wait_indirect_dma semaphore(%arg17 : memref<!tpu.dma_semaphore, #tpu.memory_space<semaphore_mem>>) src(%arg11 : memref<8x4096xf32, #tpu.memory_space<vmem>>) dst(%dma_wait3A_49 : memref<8192x4096xf32, #tpu.memory_space<hbm>>)
    return
  }
}

</mosaic_0001>

<sc_bundles>
// kernel: kernel.3.cloned.1.call-start
scs
__scs_entry_jumppad:
0x0: {  	(pc) =	sbr.rel $0x88, $3  }
0x1: {  	(tag) =	ssettag $0x0;
	lr =	simm.s32 $0x1  }
0x2: {  	[smem:$0x3FA0] =	sst lr;
	_ =	strace $0xD0000000  }
0x3: {  	_ = 	snop  }
0x4: {  	_ = 	snop  }
0x5: {  	_ = 	snop  }
0x6: {  	_ = 	snop  }
0x7: {  	_ = 	snop  }
__scs_overlays_trampoline_lowered:
0x8: {  	[smem:$0x3FAF] =	sst s0  }
0x9: {  	[smem:$0x3FB0] =	sst s1  }
0xa: {  	[smem:$0x3FB1] =	sst s2  }
0xb: {  	[smem:$0x3FB2] =	sst s3  }
0xc: {  	[smem:$0x3FB3] =	sst s4  }
0xd: {  	[smem:$0x3FB4] =	sst s5  }
0xe: {  	[smem:$0x3FB5] =	sst s6  }
0xf: {  	[smem:$0x3FB6] =	sst s7  }
0x10: {  	[smem:$0x3FB7] =	sst s8  }
0x11: {  	[smem:$0x3FB8] =	sst s9;
	s0 =	simm.s32 @!p0 $0x0  }
0x12: {  	s1 =	sld [smem:$0x3F9E];
	s0 =	simm.s32 @p0 $0x1  }
0x13: {  	[smem:$0x3FB9] =	sst s0;
	s0 =	simm.s32 @!p1 $0x0  }
0x14: {  	s2 =	sld [smem:$0x3F9D];
	s0 =	simm.s32 @p1 $0x1  }
0x15: {  	[smem:$0x3FBA] =	sst s0;
	s0 =	simm.s32 @!p2 $0x0  }
0x16: {  	s3 =	sld [smem:$0x3FDB];
	s0 =	simm.s32 @p2 $0x1  }
0x17: {  	s4 =	simm.s32 $0x1BF5;
	[smem:$0x3FBC] =	sst s0  }
0x18: {  	s0 =	sld [smem:$0x3F9F];
	_ =	swait.ge [sflag:s4], $0x0  }
0x19: {  	s7 =	sld [smem:$0x3FA0]  }
0x1a: {  	s8 =	sadd.s32 $0xFFFFE003, lr  }
0x1b: {  	s9 =	sadd.s32 $0xFFFFFEF7, lr;
	s5 =	simm.s32 $0xFFFFFFFF;
	p2 =	slt.u32 s8, $0xFFFFF086  }
0x1c: {  	p1 =	slt.u32 s9, $0xF7A;
	s5 =	simm.s32 @!p2 $0x0  }
0x1d: {  	s5 =	simm.s32 @p1 $0x1;
	p0 =	seq.s32 s7, s2  }
0x1e: {  	s7 =	smul.u32 @!p0 $0xF7A, s2;
	p2 =	seq.s32 @!p0 s5, $0x0  }
0x1f: {  	s9 =	smul.u32 $0xF7A, s1;
	s8 =	simm.s32 @!p0 $0x1BF5;
	p2 =	por !p2, p0  }
0x20: {  	[sflag:s8] =	ssyncset.s32 @!p0 $0xFFFFF086;
	s6 =	sadd.s32 @!p0 s3, s7;
	s7 =	simm.s32 @!p0 $0x108  }
0x21: {  	s3 =	sadd.s32 s3, s9;
	s6 =	sadd.s32 @!p0 $0x88, s6;
	s7 =	simm.s32 @p2 $0x1082  }
0x22: {  	[simem:s7], [sflag:s8] =	dma.local @!p0 [hbm:s6], $0xF7A  }
0x23: {  	s9 =	sor.u32 $0xD0000000, s2;
	s6 =	simm.s32 $0x108;
	_ =	swait.ge @!p0 [sflag:s8], $0x0  }
0x24: {  	s3 =	sadd.s32 $0x88, s3;
	s6 =	simm.s32 @!p1 $0x1082;
	[sflag:s4] =	ssyncset.s32 $0xFFFFF086  }
0x25: {  	[simem:s6], [sflag:s4] =	dma.local [hbm:s3], $0xF7A  }
0x26: {  	[smem:$0x3FA0] =	sst s1;
	(tag) =	ssettag s2;
	_ =	strace s9  }
0x27: {  	s1 =	sld [smem:$0x3FB0]  }
0x28: {  	s2 =	sld [smem:$0x3FB1]  }
0x29: {  	s4 =	sld [smem:$0x3FB3]  }
0x2a: {  	p0 =	seq.s32 s5, $0x0;
	s5 =	sld [smem:$0x3FB4]  }
0x2b: {  	s6 =	sld [smem:$0x3FB5]  }
0x2c: {  	s7 =	sld [smem:$0x3FB6]  }
0x2d: {  	s3 =	simm.s32 $0x108;
	s8 =	sld [smem:$0x3FB7]  }
0x2e: {  	s3 =	simm.s32 @!p0 $0x1082;
	s9 =	sld [smem:$0x3FB8]  }
0x2f: {  	lr =	sadd.s32 s0, s3;
	s0 =	sld [smem:$0x3FAF]  }
0x30: {  	s3 =	sld [smem:$0x3FB2]  }
0x31: {  	[smem:$0x3FBB] =	sst s10  }
0x32: {  	s10 =	sld [smem:$0x3FB9];
	_ =	sdelay $0x3  }
0x33: {  	p0 =	seq.s32 s10, $0x1;
	s10 =	sld [smem:$0x3FBB];
	_ =	sdelay $0x3  }
0x34: {  	[smem:$0x3FBB] =	sst s10  }
0x35: {  	s10 =	sld [smem:$0x3FBA];
	_ =	sdelay $0x3  }
0x36: {  	p1 =	seq.s32 s10, $0x1;
	s10 =	sld [smem:$0x3FBB];
	_ =	sdelay $0x3  }
0x37: {  	[smem:$0x3FBB] =	sst s10  }
0x38: {  	s10 =	sld [smem:$0x3FBC]  }
0x39: {  	_ = 	snop;
	(pc) =	sbr.ind lr, $3  }
0x3a: {  	_ = 	snop  }
0x3b: {  	_ = 	snop  }
0x3c: {  	p2 =	seq.s32 s10, $0x1;
	s10 =	sld [smem:$0x3FBB]  }
0x3d: {  	_ =	shalt  }
0x3e: {  	_ =	shalt  }
0x3f: {  	_ =	shalt  }
0x40: {  	_ =	shalt  }
0x41: {  	_ =	shalt  }
0x42: {  	_ =	shalt  }
0x43: {  	_ =	shalt  }
0x44: {  	_ =	shalt  }
0x45: {  	_ =	shalt  }
0x46: {  	_ =	shalt  }
0x47: {  	_ =	shalt  }
0x48: {  	_ =	shalt  }
0x49: {  	_ =	shalt  }
0x4a: {  	_ =	shalt  }
0x4b: {  	_ =	shalt  }
0x4c: {  	_ =	shalt  }
0x4d: {  	_ =	shalt  }
0x4e: {  	_ =	shalt  }
0x4f: {  	_ =	shalt  }
0x50: {  	_ =	shalt  }
0x51: {  	_ =	shalt  }
0x52: {  	_ =	shalt  }
0x53: {  	_ =	shalt  }
0x54: {  	_ =	shalt  }
0x55: {  	_ =	shalt  }
0x56: {  	_ =	shalt  }
0x57: {  	_ =	shalt  }
0x58: {  	_ =	shalt  }
0x59: {  	_ =	shalt  }
0x5a: {  	_ =	shalt  }
0x5b: {  	_ =	shalt  }
0x5c: {  	_ =	shalt  }
0x5d: {  	_ =	shalt  }
0x5e: {  	_ =	shalt  }
0x5f: {  	_ =	shalt  }
0x60: {  	_ =	shalt  }
0x61: {  	_ =	shalt  }
0x62: {  	_ =	shalt  }
0x63: {  	_ =	shalt  }
0x64: {  	_ =	shalt  }
0x65: {  	_ =	shalt  }
0x66: {  	_ =	shalt  }
0x67: {  	_ =	shalt  }
0x68: {  	_ =	shalt  }
0x69: {  	_ =	shalt  }
0x6a: {  	_ =	shalt  }
0x6b: {  	_ =	shalt  }
0x6c: {  	_ =	shalt  }
0x6d: {  	_ =	shalt  }
0x6e: {  	_ =	shalt  }
0x6f: {  	_ =	shalt  }
0x70: {  	_ =	shalt  }
0x71: {  	_ =	shalt  }
0x72: {  	_ =	shalt  }
0x73: {  	_ =	shalt  }
0x74: {  	_ =	shalt  }
0x75: {  	_ =	shalt  }
0x76: {  	_ =	shalt  }
0x77: {  	_ =	shalt  }
0x78: {  	_ =	shalt  }
0x79: {  	_ =	shalt  }
0x7a: {  	_ =	shalt  }
0x7b: {  	_ =	shalt  }
0x7c: {  	_ =	shalt  }
0x7d: {  	_ =	shalt  }
0x7e: {  	_ =	shalt  }
0x7f: {  	_ =	shalt  }
0x80: {  	_ =	shalt  }
0x81: {  	_ =	shalt  }
0x82: {  	_ =	shalt  }
0x83: {  	_ =	shalt  }
0x84: {  	_ =	shalt  }
0x85: {  	_ =	shalt  }
0x86: {  	_ =	shalt  }
0x87: {  	_ =	shalt  }
.Lfunc_end0:
.L_simem_size_0:
called_computation_lowered:
.L_overlay_start_0:
0x88: {  	s2 =	sld [smem:$0x3FD9]  }
0x89: {  	s3 =	sld [smem:$0x3FFE];
	_ =	sdelay $0x1  }
0x8a: {  	s1 =	srdreg.scid  }
0x8b: {  	s0 =	sand.u32 $0x1, s1  }
0x8c: {  	s17 =	sshll.u32 s0, $0xA;
	s2 =	sadd.s32 s3, s2  }
0x8d: {  	s2 =	sadd.s32 s2, s17  }
0x8e: {  	[smem:$0x3FC7] =	sst s2  }
0x8f: {  	_ = 	snop  }
0x90: {  	s2 =	sld [smem:$0x3FC9]  }
0x91: {  	s18 =	sld [smem:$0x3FD0];
	(tm) =	ssettm $0x1  }
0x92: {  	s4 =	sld [smem:$0x3FFB];
	_ =	sdelay $0x3  }
0x93: {  	_ =	strace s4  }
0x94: {  	s4 =	sld [smem:$0x3FFC];
	_ =	sdelay $0x3  }
0x95: {  	_ =	strace s4  }
0x96: {  	s4 =	sld [smem:$0x3FFD];
	_ =	sdelay $0x3  }
0x97: {  	_ =	strace s4  }
0x98: {  	_ =	strace $0x8FFFFFFF  }
0x99: {  	s19 =	sld [smem:$0x3FDB];
	_ =	sdelay $0x1  }
0x9a: {  	s5 =	simm.s32 $_scs_section_size  }
0x9b: {  	s6 =	simm.s32 $_size__tile_overlayer_lowered;
	s7 =	simm.s32 $_tile_overlayer_lowered  }
0x9c: {  	s22 =	simm.s32 $0x1BFF;
	s21 =	sshll.u32 s7, $0x1;
	s4 =	sadd.s32 s5, s19  }
0x9d: {  	s8 =	simm.s32 $0x0;
	s20 =	sshll.u32 s6, $0x1;
	s6 =	sadd.s32 s21, s4  }
0x9e: {  	[timem:s8], [sflag:s22] =	dma.local [hbm:s6], s20  }
0x9f: {  	_ =	swait.ge [sflag:s22], s20  }
0xa0: {  	s5 =	ssub.s32 $0x0, s20;
	[sflag:s22] =	ssyncset.done $0x0  }
0xa1: {  	[sflag:s22] =	ssyncadd.s32 s5;
	_ =	sdelay $0x1  }
0xa2: {  	s23 =	simm.s32 $0x1B8B  }
0xa3: {  	_ =	swait.ge [sflag:s23], $0x1  }
0xa4: {  	[sflag:s23] =	ssyncset.done $0x0  }
0xa5: {  	s25 =	simm.s32 $0x1B8E;
	s24 =	sld [smem:$0x3FFE];
	[sflag:s23] =	ssyncadd.s32 $0xFFFFFFFF  }
0xa6: {  	s26 =	simm.s32 $execute0_lowered;
	[smem:$0x3FD2] =	sst s25  }
0xa7: {  	s6 =	sshll.u32 s26, $0x1;
	_ =	strace $0x80000046;
	[dreg:$0x1] =	wrdreg $0xFFFFFFFF  }
0xa8: {  	s28 =	simm.s32 $_size_execute0_lowered;
	s4 =	sadd.s32 s4, s6;
	[dreg:$0x0] =	wrdreg $0x0  }
0xa9: {  	s6 =	sshll.u32 s28, $0x1;
	[dreg:$0x2] =	wrdreg s4  }
0xaa: {  	[dreg:$0x3] =	wrdreg s6  }
0xab: {  	[dreg:$0x4] =	wrdreg $0xC0  }
0xac: {  	_ =	task [dreg:s8], $0x5FFFF  }
0xad: {  	[dreg:$0x1] =	wrdreg $0xFFFFFFFF  }
0xae: {  	[dreg:$0x0] =	wrdreg $0x60  }
0xaf: {  	[dreg:$0x2] =	wrdreg s2  }
0xb0: {  	[dreg:$0x3] =	wrdreg s24  }
0xb1: {  	[dreg:$0x4] =	wrdreg s18  }
0xb2: {  	[dreg:$0x5] =	wrdreg $0x9  }
0xb3: {  	_ =	task.clear_ibuf [dreg:s8], $0x6FFFF;
	_ =	strace $0x90000046  }
0xb4: {  	s29 =	simm.s32 $0x9;
	_ =	strace $0x80000048  }
0xb5: {  	_ =	swait.ge [sflag:s29], $0x1  }
0xb6: {  	[sflag:s29] =	ssyncadd.s32 $0xFFFFFFFF  }
0xb7: {  	_ =	strace $0x90000048  }
0xb8: {  	_ =	sfence  }
0xb9: {  	s30 =	sld [smem:$0x0];
	_ =	sdelay $0x2  }
0xba: {  	s31 =	sshll.u32 s1, $0xD;
	s1 =	sshrl.u32 s1, $0x2  }
0xbb: {  	s3 =	sand.u32 $0x4000, s31;
	s1 =	sadd.s32 s1, s30  }
0xbc: {  	s0 =	sor.u32 s3, s0;
	s1 =	sshll.u32 s1, $0x11  }
0xbd: {  	s0 =	sor.u32 s1, s0  }
0xbe: {  	s0 =	sadd.s32 $0x8F2B, s0  }
0xbf: {  	[sflag:s0] =	ssyncadd.remote.s32 $0x1  }
0xc0: {  	_ =	sfence.sel $0xFFFF  }
0xc1: {  	[dreg:$0x0] =	wrdreg $0xFFFFFFFF;
	(pc) =	sbr.abs _section_cstart, $3  }
0xc2: {  	[dreg:$0x1] =	wrdreg $0xFFFFFFFF  }
0xc3: {  	_ =	task.clear_ibuf [dreg:s8], $0x2FFFF;
	_ =	strace $0x9FFFFFFF  }
0xc4: {  	(tm) =	ssettm $0x7FFFFFFF  }
0xc5: {  	_ =	shalt  }
tec
execute0_lowered:
.L_overlay_start_1:
0x0: {  	(tag) =	ssettag $0x1  }
0x1: {  	s31 =	rddreg [dreg:$0x0]  }
0x2: {  	s0 =	rddreg [dreg:$0x1]  }
0x3: {  	s8 =	rddreg [dreg:$0x2];
	s4 =	simm.s32 $0x0  }
0x4: {  	[smem:$0x7FF] =	sst s4;
	s24 =	sadd.s32 $0x100, s31  }
0x5: {  	s25 =	sadd.s32 $0x200, s31;
	_ =	strace $0x80000047;
	[dreg:$0x7] =	wrdreg s24  }
0x6: {  	s26 =	sadd.s32 $0x300, s31;
	[dreg:$0x8] =	wrdreg s25  }
0x7: {  	s1 =	srdreg.scid;
	s6 =	sadd.s32 $0x700, s31;
	[dreg:$0x9] =	wrdreg s26  }
0x8: {  	s3 =	stileid.u32;
	s7 =	sadd.s32 $0x900, s31;
	[dreg:$0xd] =	wrdreg s6  }
0x9: {  	s28 =	simm.s32 $0xF800;
	s9 =	sadd.s32 $0xA00, s31;
	[dreg:$0xe] =	wrdreg s7  }
0xa: {  	s29 =	simm.s32 $0x10000;
	s10 =	sadd.s32 $0xB00, s31;
	[dreg:$0xf] =	wrdreg s9  }
0xb: {  	s30 =	simm.s32 $0x10800;
	s11 =	sadd.s32 $0xC00, s31;
	[dreg:$0x10] =	wrdreg s10  }
0xc: {  	s1 =	sand.u32 $0x1, s1;
	s12 =	sadd.s32 $0xD00, s31;
	[dreg:$0x11] =	wrdreg s11  }
0xd: {  	s2 =	sshll.u32 s3, $0x1;
	s13 =	sadd.s32 $0xE00, s31;
	[dreg:$0x12] =	wrdreg s12  }
0xe: {  	s3 =	sshll.u32 s3, $0x2;
	s14 =	sadd.s32 $0x100, s8;
	[dreg:$0x13] =	wrdreg s13  }
0xf: {  	s15 =	sadd.s32 $0x800, s31;
	s16 =	sadd.s32 $0x200, s8;
	[dreg:$0x14] =	wrdreg s14  }
0x10: {  	s22 =	sadd.s32 $0xF00, s31;
	s18 =	sadd.s32 $0x300, s8;
	[dreg:$0x15] =	wrdreg s16  }
0x11: {  	s19 =	sadd.s32 $0x400, s8;
	s20 =	sadd.s32 $0x500, s8;
	[dreg:$0x17] =	wrdreg s18  }
0x12: {  	s21 =	sadd.s32 $0x600, s8;
	s2 =	sor.u32 s1, s2;
	[dreg:$0x18] =	wrdreg s19  }
0x13: {  	s1 =	ssub.s32 $0x2, s1;
	s3 =	sand.u32 $0x30, s3;
	[dreg:$0x19] =	wrdreg s20  }
0x14: {  	[dreg:$0x1a] =	wrdreg s21;
	s24 =	sadd.s32 $0x800, s8;
	s25 =	sadd.s32 $0x900, s8  }
0x15: {  	s26 =	sadd.s32 $0xA00, s8;
	s6 =	sadd.s32 $0xB00, s8;
	s7 =	sadd.s32 $0xC00, s8  }
0x16: {  	s9 =	simm.s32 $0xB800;
	s16 =	simm.s32 $0xC000;
	s18 =	simm.s32 $0xD000  }
0x17: {  	s19 =	simm.s32 $0xD800;
	s20 =	simm.s32 $0xE000;
	[dreg:$0x1c] =	wrdreg s24  }
0x18: {  	s21 =	simm.s32 $0xE800;
	s2 =	smul.u32 $0x280, s2;
	[dreg:$0x1d] =	wrdreg s25  }
0x19: {  	s10 =	simm.s32 $0x3;
	s5 =	sshrl.u32 s1, $0x1;
	[dreg:$0x1e] =	wrdreg s26  }
0x1a: {  	s1 =	ssub.s32 s1, s5;
	s5 =	sadd.s32 $0x600, s31;
	s2 =	sadd.s32 s2, s0  }
0x1b: {  	s0 =	sadd.s32 s3, s0;
	s3 =	sadd.s32 $0x500, s31;
	[dreg:$0xc] =	wrdreg s5  }
0x1c: {  	s25 =	sadd.s32 $0xD00, s8;
	s17 =	smax.u32 s1, $0x1;
	[dreg:$0xb] =	wrdreg s3  }
0x1d: {  	s26 =	simm.s32 $0xF000;
	s23 =	sadd.s32 $0x5C00, s2;
	[dreg:$0x16] =	wrdreg s17  }
.Ltmp0:
0x1e: {  	s2 =	sadd.s32 $0xC00, s2;
	[dreg:$0x4] =	wrdreg s23;
	(pc) =	sbr.rel .LBB2_1-.Ltmp0, $4  }
0x1f: {  	s1 =	sadd.s32 $0xF00, s8;
	s0 =	sadd.s32 $0x400, s0;
	[dreg:$0x5] =	wrdreg s2  }
0x20: {  	v0 =	vlaneseq.u32;
	s5 =	simm.s32 $0x0;
	[dreg:$0x6] =	wrdreg s0;
	s2 =	sadd.s32 $0x400, s31  }
0x21: {  	vm0 =	vmmov $0xffff;
	v3 =	vimm.s32 $0x0;
	v2 =	vshrl.u32 v0, $0x3;
	s3 =	sadd.s32 $0xE00, s8;
	s23 =	sadd.s32 $0x700, s8;
	[dreg:$0xa] =	wrdreg s2  }
0x22: {  	v1 =	vand.u32 $0x7, v0;
	v4 =	vmul.u32 $0x8, v0;
	v2 =	vmul.u32 $0x8, v2;
	s17 =	simm.s32 $0xC800;
	s8 =	simm.s32 $0x3800;
	[dreg:$0x1b] =	wrdreg s23  }
.LBB2_8:
0x23: {  	s0 =	simm.s32 $0x4  }
0x24: {  	_ =	swait.ge [sflag:s0], $0x8000  }
0x25: {  	[sflag:s0] =	ssyncset.done $0x0  }
0x26: {  	s2 =	simm.s32 $0x5;
	[sflag:s0] =	ssyncadd.s32 $0xFFFF8000  }
0x27: {  	_ =	swait.ge [sflag:s2], $0x8000  }
0x28: {  	s5 =	rddreg [dreg:$0x1f]  }
0x29: {  	s24 =	rddreg [dreg:$0x16];
	s5 =	sadd.s32 $0x1, s5  }
0x2a: {  	p0 =	sne.s32 s5, s24  }
.Ltmp1:
0x2b: {  	_ = 	snop;
	(pc) =	sbr.rel @!p0 .LBB2_9-.Ltmp1, $3  }
0x2c: {  	_ =	sdelay $0x1  }
0x2d: {  	[sflag:s2] =	ssyncset.done $0x0  }
0x2e: {  	[sflag:s2] =	ssyncadd.s32 $0xFFFF8000  }
.LBB2_1:
0x2f: {  	[dreg:$0x1f] =	wrdreg s5  }
0x30: {  	s0 =	rddreg [dreg:$0x4];
	s2 =	simm.s32 $0x6  }
0x31: {  	[tilespmem:s4], [sflag:$0x6] =	stream.linear.gather [hbm4b:s0+s4], $0x1400, $0x38;
	[tilespmem:$0x14800] =	vst v63  }
0x32: {  	_ =	swait.ge [sflag:s2], $0x1400  }
0x33: {  	[sflag:s2] =	ssyncset.done $0x0  }
0x34: {  	s14 =	simm.s32 $0x1400;
	s13 =	rddreg [dreg:$0x5];
	[sflag:s2] =	ssyncadd.s32 $0xFFFFEC00  }
0x35: {  	[tilespmem:s14], [sflag:$0x6] =	stream.linear.gather [hbm4b:s13+s4], $0x1400, $0x38;
	[tilespmem:$0x14800] =	vst v63  }
0x36: {  	_ =	swait.ge [sflag:s2], $0x1400  }
0x37: {  	s24 =	simm.s32 $0x80;
	s11 =	simm.s32 $0x200;
	[sflag:s2] =	ssyncset.done $0x0  }
0x38: {  	s12 =	simm.s32 $0x2800;
	s23 =	rddreg [dreg:$0x6];
	[sflag:s2] =	ssyncadd.s32 $0xFFFFEC00  }
0x39: {  	[tilespmem:s12], [sflag:$0x6] =	stream.strided.gather [hbm4b:s23+s24], $0x1000, s11, s24, $0x38;
	[tilespmem:$0x14800] =	vst v63  }
0x3a: {  	_ =	swait.ge [sflag:s2], $0x1000  }
0x3b: {  	[sflag:s2] =	ssyncset.done $0x0  }
0x3c: {  	[sflag:s2] =	ssyncadd.s32 $0xFFFFF000  }
0x3d: {  	v5 =	vld.msk [tilespmem:$0x0], $0xff;
	_ =	sdelay $0x4  }
0x3e: {  	v6 =	vshll.u32 v5, $0x5  }
0x3f: {  	v5 =	vand.u32 $0x7, v5;
	v6 =	vand.u32 $0xFFFFFF00, v6  }
0x40: {  	v5 =	vor.u32 v5, v6  }
0x41: {  	v5 =	vperm.xlane v5, v1;
	_ =	sdelay $0x1  }
0x42: {  	v5 =	vadd.s32 v2, v5;
	_ =	sdelay $0x4  }
0x43: {  	[tilespmem:s8], [sflag:$0x1] =	stream.indirect_vreg.gather [hbm4b:s31+s4], $0x80, v5, vm0, $0xb8;
	[tilespmem:$0x14800] =	vst v63  }
0x44: {  	s5 =	simm.s32 $0x4000;
	s2 =	rddreg [dreg:$0x7]  }
0x45: {  	[tilespmem:s5], [sflag:$0x1] =	stream.indirect_vreg.gather [hbm4b:s2+s4], $0x80, v5, vm0, $0xb8;
	[tilespmem:$0x14800] =	vst v63  }
0x46: {  	s12 =	simm.s32 $0x4800;
	s11 =	rddreg [dreg:$0x8]  }
0x47: {  	[tilespmem:s12], [sflag:$0x1] =	stream.indirect_vreg.gather [hbm4b:s11+s4], $0x80, v5, vm0, $0xb8;
	[tilespmem:$0x14800] =	vst v63  }
0x48: {  	s14 =	simm.s32 $0x5000;
	s13 =	rddreg [dreg:$0x9]  }
0x49: {  	[tilespmem:s14], [sflag:$0x1] =	stream.indirect_vreg.gather [hbm4b:s13+s4], $0x80, v5, vm0, $0xb8;
	[tilespmem:$0x14800] =	vst v63  }
0x4a: {  	s24 =	simm.s32 $0x5800;
	s23 =	rddreg [dreg:$0xa]  }
0x4b: {  	[tilespmem:s24], [sflag:$0x1] =	stream.indirect_vreg.gather [hbm4b:s23+s4], $0x80, v5, vm0, $0xb8;
	[tilespmem:$0x14800] =	vst v63  }
0x4c: {  	s5 =	rddreg [dreg:$0xb];
	s11 =	simm.s32 $0x6000  }
0x4d: {  	[tilespmem:s11], [sflag:$0x1] =	stream.indirect_vreg.gather [hbm4b:s5+s4], $0x80, v5, vm0, $0xb8;
	[tilespmem:$0x14800] =	vst v63  }
0x4e: {  	s12 =	rddreg [dreg:$0xc];
	s13 =	simm.s32 $0x6800  }
0x4f: {  	[tilespmem:s13], [sflag:$0x1] =	stream.indirect_vreg.gather [hbm4b:s12+s4], $0x80, v5, vm0, $0xb8;
	[tilespmem:$0x14800] =	vst v63  }
0x50: {  	s14 =	rddreg [dreg:$0xd];
	s23 =	simm.s32 $0x7000  }
0x51: {  	[tilespmem:s23], [sflag:$0x1] =	stream.indirect_vreg.gather [hbm4b:s14+s4], $0x80, v5, vm0, $0xb8;
	[tilespmem:$0x14800] =	vst v63  }
0x52: {  	s24 =	simm.s32 $0x7800  }
0x53: {  	[tilespmem:s24], [sflag:$0x1] =	stream.indirect_vreg.gather [hbm4b:s15+s4], $0x80, v5, vm0, $0xb8;
	[tilespmem:$0x14800] =	vst v63  }
0x54: {  	s2 =	rddreg [dreg:$0xe];
	s5 =	simm.s32 $0x8000  }
0x55: {  	[tilespmem:s5], [sflag:$0x1] =	stream.indirect_vreg.gather [hbm4b:s2+s4], $0x80, v5, vm0, $0xb8;
	[tilespmem:$0x14800] =	vst v63  }
0x56: {  	s11 =	rddreg [dreg:$0xf];
	s12 =	simm.s32 $0x8800  }
0x57: {  	[tilespmem:s12], [sflag:$0x1] =	stream.indirect_vreg.gather [hbm4b:s11+s4], $0x80, v5, vm0, $0xb8;
	[tilespmem:$0x14800] =	vst v63  }
0x58: {  	s13 =	rddreg [dreg:$0x10];
	s14 =	simm.s32 $0x9000  }
0x59: {  	[tilespmem:s14], [sflag:$0x1] =	stream.indirect_vreg.gather [hbm4b:s13+s4], $0x80, v5, vm0, $0xb8;
	[tilespmem:$0x14800] =	vst v63  }
0x5a: {  	s23 =	rddreg [dreg:$0x11];
	s24 =	simm.s32 $0x9800  }
0x5b: {  	[tilespmem:s24], [sflag:$0x1] =	stream.indirect_vreg.gather [hbm4b:s23+s4], $0x80, v5, vm0, $0xb8;
	[tilespmem:$0x14800] =	vst v63  }
0x5c: {  	s5 =	rddreg [dreg:$0x12];
	s11 =	simm.s32 $0xA000  }
0x5d: {  	[tilespmem:s11], [sflag:$0x1] =	stream.indirect_vreg.gather [hbm4b:s5+s4], $0x80, v5, vm0, $0xb8;
	[tilespmem:$0x14800] =	vst v63  }
0x5e: {  	s12 =	rddreg [dreg:$0x13];
	s13 =	simm.s32 $0xA800  }
0x5f: {  	[tilespmem:s13], [sflag:$0x1] =	stream.indirect_vreg.gather [hbm4b:s12+s4], $0x80, v5, vm0, $0xb8;
	[tilespmem:$0x14800] =	vst v63  }
0x60: {  	s14 =	simm.s32 $0xB000  }
0x61: {  	[tilespmem:s14], [sflag:$0x1] =	stream.indirect_vreg.gather [hbm4b:s22+s4], $0x80, v5, vm0, $0xb8;
	[tilespmem:$0x14800] =	vst v63  }
0x62: {  	v5 =	vld.msk [tilespmem:$0x1400], $0x1;
	_ =	sdelay $0x4  }
0x63: {  	v6 =	vshll.u32 v5, $0x5  }
0x64: {  	v5 =	vand.u32 $0x7, v5;
	v6 =	vand.u32 $0xFFFFFF00, v6  }
0x65: {  	v5 =	vor.u32 v5, v6  }
0x66: {  	v5 =	vperm.xlane v5, v3;
	_ =	sdelay $0x1  }
0x67: {  	v5 =	vadd.s32 v4, v5;
	_ =	sdelay $0x3  }
0x68: {  	s23 =	simm.s32 $0x13800  }
0x69: {  	[tilespmem:s23], [sflag:$0x3] =	stream.indirect_vreg.gather [hbm4b:s31+s4], $0x80, v5, vm0, $0xb8;
	[tilespmem:$0x14800] =	vst v63  }
0x6a: {  	s24 =	simm.s32 $0x14000;
	s11 =	simm.s32 $0x0  }
0x6b: {  	[tilespmem:s24], [sflag:$0x3] =	stream.indirect_vreg.gather [hbm4b:s15+s4], $0x80, v5, vm0, $0xb8;
	[tilespmem:$0x14800] =	vst v63  }
.LBB2_2:
0x6c: {  	s0 =	simm.s32 $0x1  }
0x6d: {  	_ =	swait.ge [sflag:s0], $0x8000  }
0x6e: {  	p0 =	seq.s32 s11, $0x0;
	[sflag:s0] =	ssyncset.done $0x0  }
0x6f: {  	s13 =	simm.s32 @!p0 $0x5;
	[sflag:s0] =	ssyncadd.s32 $0xFFFF8000  }
0x70: {  	s12 =	sshll.u32 s11, $0xA;
	_ =	swait.ge @!p0 [sflag:s13], $0x8000  }
0x71: {  	s14 =	sor.u32 $0x200, s12;
	[sflag:s13] =	ssyncset.done @!p0 $0x0  }
0x72: {  	s23 =	sshrl.u32 s14, $0x2;
	[sflag:s13] =	ssyncadd.s32 @!p0 $0xFFFF8000  }
0x73: {  	v5 =	vld.msk [tilespmem:s23+$0x0], $0xff;
	_ =	sdelay $0x4  }
0x74: {  	v6 =	vshll.u32 v5, $0x5  }
0x75: {  	v5 =	vand.u32 $0x7, v5;
	v6 =	vand.u32 $0xFFFFFF00, v6  }
0x76: {  	v5 =	vor.u32 v5, v6  }
0x77: {  	v5 =	vperm.xlane v5, v1;
	_ =	sdelay $0x1  }
0x78: {  	v5 =	vadd.s32 v2, v5;
	_ =	sdelay $0x3  }
0x79: {  	s24 =	simm.s32 $0x0  }
0x7a: {  	[tilespmem:s9], [sflag:$0x2] =	stream.indirect_vreg.gather [hbm4b:s31+s24], $0x80, v5, vm0, $0xb8;
	[tilespmem:$0x14800] =	vst v63  }
0x7b: {  	s13 =	rddreg [dreg:$0x7]  }
0x7c: {  	[tilespmem:s16], [sflag:$0x2] =	stream.indirect_vreg.gather [hbm4b:s13+s24], $0x80, v5, vm0, $0xb8;
	[tilespmem:$0x14800] =	vst v63  }
0x7d: {  	s14 =	rddreg [dreg:$0x8]  }
0x7e: {  	[tilespmem:s17], [sflag:$0x2] =	stream.indirect_vreg.gather [hbm4b:s14+s24], $0x80, v5, vm0, $0xb8;
	[tilespmem:$0x14800] =	vst v63  }
0x7f: {  	s16 =	rddreg [dreg:$0x9]  }
0x80: {  	[tilespmem:s18], [sflag:$0x2] =	stream.indirect_vreg.gather [hbm4b:s16+s24], $0x80, v5, vm0, $0xb8;
	[tilespmem:$0x14800] =	vst v63  }
0x81: {  	s17 =	rddreg [dreg:$0xa]  }
0x82: {  	[tilespmem:s19], [sflag:$0x2] =	stream.indirect_vreg.gather [hbm4b:s17+s24], $0x80, v5, vm0, $0xb8;
	[tilespmem:$0x14800] =	vst v63  }
0x83: {  	s18 =	rddreg [dreg:$0xb]  }
0x84: {  	[tilespmem:s20], [sflag:$0x2] =	stream.indirect_vreg.gather [hbm4b:s18+s24], $0x80, v5, vm0, $0xb8;
	[tilespmem:$0x14800] =	vst v63  }
0x85: {  	s19 =	rddreg [dreg:$0xc]  }
0x86: {  	[tilespmem:s21], [sflag:$0x2] =	stream.indirect_vreg.gather [hbm4b:s19+s24], $0x80, v5, vm0, $0xb8;
	[tilespmem:$0x14800] =	vst v63  }
0x87: {  	s20 =	rddreg [dreg:$0xd]  }
0x88: {  	[tilespmem:s26], [sflag:$0x2] =	stream.indirect_vreg.gather [hbm4b:s20+s24], $0x80, v5, vm0, $0xb8;
	[tilespmem:$0x14800] =	vst v63  }
0x89: {  	_ = 	snop  }
0x8a: {  	[tilespmem:s28], [sflag:$0x2] =	stream.indirect_vreg.gather [hbm4b:s15+s24], $0x80, v5, vm0, $0xb8;
	[tilespmem:$0x14800] =	vst v63  }
0x8b: {  	s21 =	rddreg [dreg:$0xe]  }
0x8c: {  	[tilespmem:s29], [sflag:$0x2] =	stream.indirect_vreg.gather [hbm4b:s21+s24], $0x80, v5, vm0, $0xb8;
	[tilespmem:$0x14800] =	vst v63  }
0x8d: {  	s26 =	rddreg [dreg:$0xf]  }
0x8e: {  	[tilespmem:s30], [sflag:$0x2] =	stream.indirect_vreg.gather [hbm4b:s26+s24], $0x80, v5, vm0, $0xb8;
	[tilespmem:$0x14800] =	vst v63  }
0x8f: {  	s5 =	smov.u32 s31;
	s2 =	simm.s32 $0x11000;
	s31 =	rddreg [dreg:$0x10]  }
0x90: {  	[tilespmem:s2], [sflag:$0x2] =	stream.indirect_vreg.gather [hbm4b:s31+s24], $0x80, v5, vm0, $0xb8;
	[tilespmem:$0x14800] =	vst v63  }
0x91: {  	s13 =	rddreg [dreg:$0x11];
	s14 =	simm.s32 $0x11800  }
0x92: {  	[tilespmem:s14], [sflag:$0x2] =	stream.indirect_vreg.gather [hbm4b:s13+s24], $0x80, v5, vm0, $0xb8;
	[tilespmem:$0x14800] =	vst v63  }
0x93: {  	s16 =	rddreg [dreg:$0x12];
	s17 =	simm.s32 $0x12000  }
0x94: {  	[tilespmem:s17], [sflag:$0x2] =	stream.indirect_vreg.gather [hbm4b:s16+s24], $0x80, v5, vm0, $0xb8;
	[tilespmem:$0x14800] =	vst v63  }
0x95: {  	s18 =	rddreg [dreg:$0x13];
	s19 =	simm.s32 $0x12800  }
0x96: {  	[tilespmem:s19], [sflag:$0x2] =	stream.indirect_vreg.gather [hbm4b:s18+s24], $0x80, v5, vm0, $0xb8;
	[tilespmem:$0x14800] =	vst v63  }
0x97: {  	s20 =	simm.s32 $0x13000  }
0x98: {  	[tilespmem:s20], [sflag:$0x2] =	stream.indirect_vreg.gather [hbm4b:s22+s24], $0x80, v5, vm0, $0xb8;
	[tilespmem:$0x14800] =	vst v63  }
0x99: {  	_ =	swait.ge [sflag:s10], $0x1000  }
0x9a: {  	[sflag:s10] =	ssyncset.done $0x0  }
0x9b: {  	s21 =	simm.s32 $0x2810;
	[sflag:s10] =	ssyncadd.s32 $0xFFFFF000  }
0x9c: {  	v6 =	vld [tilespmem:s21+$0x0];
	_ =	sdelay $0x1  }
0x9d: {  	s26 =	sand.u32 $0x7C00, s24;
	s14 =	simm.s32 $0x10  }
0x9e: {  	s13 =	simm.s32 $0x13810;
	s31 =	sand.u32 $0x70, s14;
	v7 =	vmov s14;
	s16 =	sadd.s32 $0x3800, s26;
	v8 =	vld [tilespmem:s21+$0xFFFFFFF0]  }
0x9f: {  	v9 =	vor.u32 s14, v0;
	v11 =	vshll.u32 v7, $0x3;
	s17 =	sor.u32 s31, s16;
	v5 =	vld [tilespmem:s13+$0x0]  }
0xa0: {  	v17 =	vand.u32 $0x7F, v9;
	v7 =	vld [tilespmem:s17+$0x80];
	vm1 =	vlt.f32 v6, $5.000000000e-01;
	v6 =	vand.u32 $0x7C00, v11  }
0xa1: {  	s0 =	sand.u32 $0x7, s24;
	v9 =	vld [tilespmem:s17+$0x100];
	v10 =	vor.u32 v17, v6  }
0xa2: {  	s18 =	sshll.u32 s0, $0x4;
	v12 =	vld [tilespmem:s17+$0x180];
	v13 =	vor.u32 $0x80, v10  }
0xa3: {  	s18 =	sadd.s32 $0x10, s18;
	v16 =	vld [tilespmem:s17+$0x200];
	v15 =	vor.u32 $0x100, v10  }
0xa4: {  	s2 =	sand.u32 $0x3, s24;
	s19 =	sor.u32 $0x300, s18;
	v19 =	vld [tilespmem:s17+$0x280];
	v20 =	vor.u32 $0x180, v10  }
0xa5: {  	s28 =	simm.s32 $0x0;
	s26 =	sshll.u32 s2, $0x5;
	s20 =	sor.u32 $0x380, s18;
	v21 =	vld [tilespmem:s19+$0x3800]  }
0xa6: {  	v14 =	vor.u32 s28, v0;
	s21 =	sadd.s32 $0x0, s26;
	v23 =	vld [tilespmem:s20+$0x3800];
	v6 =	vmov s28;
	v22 =	vor.u32 $0x200, v10;
	[tilespmem:v10+s8+$0x0] =	vst.idx.msk vm1, v7  }
0xa7: {  	v25 =	vand.u32 $0x6F, v14;
	s26 =	sor.u32 $0x300, s21;
	v18 =	vshll.u32 v6, $0x3;
	v24 =	vor.u32 $0x280, v10;
	[tilespmem:v13+s8+$0x0] =	vst.idx.msk vm1, v9  }
0xa8: {  	s31 =	sand.u32 $0x60, s28;
	s18 =	sor.u32 $0x380, s21;
	v17 =	vor.u32 v17, v11;
	v6 =	vld [tilespmem:s26+$0x3800];
	v26 =	vor.u32 $0x300, v10;
	v7 =	vand.u32 $0x7C00, v18;
	[tilespmem:v15+s8+$0x0] =	vst.idx.msk vm1, v12  }
0xa9: {  	s30 =	sor.u32 s31, s16;
	v14 =	vor.u32 v25, v7;
	v7 =	vld [tilespmem:s18+$0x3800];
	[tilespmem:v20+s8+$0x0] =	vst.idx.msk vm1, v16;
	v20 =	vor.u32 $0x380, v17  }
0xaa: {  	vm2 =	vlt.f32 v8, $5.000000000e-01;
	v25 =	vor.u32 v18, v25;
	v18 =	vld [tilespmem:s30+$0x80]  }
0xab: {  	vm2 =	vmmov vm2;
	v15 =	vor.u32 $0x80, v14;
	v16 =	vld [tilespmem:s30+$0x100];
	[tilespmem:v22+s8+$0x0] =	vst.idx.msk vm1, v19  }
0xac: {  	s29 =	simm.s32 $0x2830;
	s16 =	simm.s32 $0x1;
	s17 =	simm.s32 $0x0;
	v13 =	vor.u32 $0x100, v14;
	v12 =	vor.u32 $0x180, v14;
	v9 =	vor.u32 $0x200, v14;
	v17 =	vld [tilespmem:s30+$0x200];
	[tilespmem:v24+s8+$0x0] =	vst.idx.msk vm1, v21  }
0xad: {  	s28 =	simm.s32 $0x0;
	s26 =	sshll.u32 s11, $0x1;
	s18 =	simm.s32 $0x10;
	v10 =	vor.u32 $0x280, v14;
	v11 =	vor.u32 $0x300, v25;
	v8 =	vor.u32 $0x380, v25;
	v19 =	vld [tilespmem:s30+$0x180];
	[tilespmem:v26+s8+$0x0] =	vst.idx.msk vm1, v23  }
.LBB2_3:
0xae: {  	s31 =	sand.u32 $0x3, s16;
	v21 =	vld [tilespmem:s29+$0x0];
	[tilespmem:v20+s8+$0x0] =	vst.idx.msk vm1, v5  }
0xaf: {  	s24 =	sadd.s32 $0x100, s24;
	s31 =	sshll.u32 s31, $0x5;
	v20 =	vld [tilespmem:s29+$0xFFFFFFF0]  }
0xb0: {  	s14 =	sadd.s32 $0x20, s14;
	s19 =	sand.u32 $0x7C00, s24;
	s31 =	sadd.s32 s31, s24;
	v22 =	vld [tilespmem:s30+$0x280]  }
0xb1: {  	v23 =	vmov s14;
	s19 =	sadd.s32 $0x3800, s19;
	s30 =	sand.u32 $0x70, s14;
	v24 =	vld [tilespmem:s13+$0xFFFFFFF0];
	[tilespmem:v14+s8+$0x0] =	vst.idx.msk vm2, v18;
	s13 =	sadd.s32 $0x20, s13  }
0xb2: {  	s2 =	sadd.s32 $0xFFFFFFF0, s14;
	s20 =	sor.u32 $0x300, s31;
	v14 =	vor.u32 s14, v0;
	s0 =	sor.u32 s30, s19;
	v18 =	vshll.u32 v23, $0x3;
	v5 =	vld [tilespmem:s13+$0x0];
	[tilespmem:v15+s8+$0x0] =	vst.idx.msk vm2, v16  }
0xb3: {  	s17 =	sadd.s32 $0x2, s17;
	s30 =	sand.u32 $0x60, s2;
	s31 =	sor.u32 $0x380, s31;
	vm1 =	vlt.f32 v21, $5.000000000e-01;
	v16 =	vld [tilespmem:s0+$0x80];
	v21 =	vand.u32 $0x7F, v14;
	v14 =	vand.u32 $0x7C00, v18;
	[tilespmem:v13+s8+$0x0] =	vst.idx.msk vm2, v19  }
0xb4: {  	s21 =	sand.u32 $0x7, s17;
	v15 =	vor.u32 s2, v0;
	s30 =	sor.u32 s30, s19;
	v13 =	vmov s2;
	v19 =	vld [tilespmem:s0+$0x100];
	v23 =	vor.u32 v21, v14;
	[tilespmem:v12+s8+$0x0] =	vst.idx.msk vm2, v17  }
0xb5: {  	s28 =	sadd.s32 $0x2, s28;
	s18 =	sadd.s32 $0x100, s18;
	s2 =	sshll.u32 s21, $0x4;
	v12 =	vand.u32 $0x6F, v15;
	v13 =	vshll.u32 v13, $0x3;
	v17 =	vld [tilespmem:s0+$0x180];
	v25 =	vor.u32 $0x80, v23;
	[tilespmem:v9+s8+$0x0] =	vst.idx.msk vm2, v22  }
0xb6: {  	p0 =	slt.u32 s28, $0xFE;
	s2 =	sadd.s32 s2, s18;
	v9 =	vand.u32 $0x7C00, v13;
	v22 =	vor.u32 v13, v12;
	v27 =	vor.u32 $0x100, v23;
	v26 =	vld [tilespmem:s0+$0x200];
	[tilespmem:v10+s8+$0x0] =	vst.idx.msk vm2, v6  }
0xb7: {  	vm3 =	vlt.f32 v20, $5.000000000e-01;
	v29 =	vor.u32 $0x180, v23;
	v14 =	vor.u32 v12, v9;
	v28 =	vld [tilespmem:s0+$0x280];
	s0 =	sor.u32 $0x300, s2;
	[tilespmem:v11+s8+$0x0] =	vst.idx.msk vm2, v7  }
0xb8: {  	v31 =	vor.u32 $0x200, v23;
	v15 =	vor.u32 $0x80, v14;
	v13 =	vor.u32 $0x100, v14;
	v30 =	vld [tilespmem:s0+$0x3800];
	s0 =	sor.u32 $0x380, s2;
	[tilespmem:v8+s8+$0x0] =	vst.idx.msk vm2, v24  }
0xb9: {  	v32 =	vor.u32 $0x280, v23;
	v12 =	vor.u32 $0x180, v14;
	v9 =	vor.u32 $0x200, v14;
	v24 =	vld [tilespmem:s0+$0x3800];
	[tilespmem:v23+s8+$0x0] =	vst.idx.msk vm1, v16  }
0xba: {  	v10 =	vor.u32 $0x280, v14;
	v23 =	vor.u32 $0x300, v23;
	v16 =	vor.u32 v21, v18;
	v6 =	vld [tilespmem:s20+$0x3800];
	[tilespmem:v25+s8+$0x0] =	vst.idx.msk vm1, v19  }
.Ltmp2:
0xbb: {  	v11 =	vor.u32 $0x300, v22;
	v8 =	vor.u32 $0x380, v22;
	v20 =	vor.u32 $0x380, v16;
	v7 =	vld [tilespmem:s31+$0x3800];
	[tilespmem:v27+s8+$0x0] =	vst.idx.msk vm1, v17;
	(pc) =	sbr.rel @p0 .LBB2_3-.Ltmp2, $4  }
0xbc: {  	vm2 =	vmmov vm3;
	v18 =	vld [tilespmem:s30+$0x80];
	[tilespmem:v29+s8+$0x0] =	vst.idx.msk vm1, v26  }
0xbd: {  	v16 =	vld [tilespmem:s30+$0x100];
	[tilespmem:v31+s8+$0x0] =	vst.idx.msk vm1, v28  }
0xbe: {  	v19 =	vld [tilespmem:s30+$0x180];
	[tilespmem:v32+s8+$0x0] =	vst.idx.msk vm1, v30  }
0xbf: {  	s16 =	sadd.s32 $0x1, s16;
	s29 =	sadd.s32 $0x20, s29;
	v17 =	vld [tilespmem:s30+$0x200];
	[tilespmem:v23+s8+$0x0] =	vst.idx.msk vm1, v24  }
0xc0: {  	_ =	sdelay $0x4  }
0xc1: {  	v21 =	vld [tilespmem:s30+$0x280];
	[tilespmem:v20+s8+$0x0] =	vst.idx.msk vm1, v5  }
0xc2: {  	v5 =	vld [tilespmem:s13+$0xFFFFFFF0];
	[tilespmem:v14+s8+$0x0] =	vst.idx.msk vm2, v18  }
0xc3: {  	[tilespmem:v15+s8+$0x0] =	vst.idx.msk vm2, v16  }
0xc4: {  	[tilespmem:v13+s8+$0x0] =	vst.idx.msk vm2, v19  }
0xc5: {  	[tilespmem:v12+s8+$0x0] =	vst.idx.msk vm2, v17  }
0xc6: {  	[tilespmem:v9+s8+$0x0] =	vst.idx.msk vm2, v21  }
0xc7: {  	[tilespmem:v10+s8+$0x0] =	vst.idx.msk vm2, v6  }
0xc8: {  	[tilespmem:v11+s8+$0x0] =	vst.idx.msk vm2, v7  }
0xc9: {  	s0 =	sshrl.u32 s12, $0x2;
	[tilespmem:v8+s8+$0x0] =	vst.idx.msk vm2, v5  }
0xca: {  	v5 =	vld.msk [tilespmem:s0+$0x0], $0xff;
	_ =	sdelay $0x4  }
0xcb: {  	v6 =	vshll.u32 v5, $0x5  }
0xcc: {  	v5 =	vand.u32 $0x7, v5;
	v6 =	vand.u32 $0xFFFFFF00, v6  }
0xcd: {  	v5 =	vor.u32 v5, v6  }
0xce: {  	v5 =	vperm.xlane v5, v1;
	_ =	sdelay $0x1  }
0xcf: {  	v5 =	vadd.s32 v2, v5;
	_ =	sdelay $0x3  }
0xd0: {  	s18 =	rddreg [dreg:$0x2]  }
0xd1: {  	[hbm4b:s18+s4] =	stream.indirect_vreg.scatter [tilespmem:s8], [sflag:$0x4], $0x80, v5, vm0, $0xb8;
	[tilespmem:$0x14800] =	vst v63  }
0xd2: {  	s2 =	simm.s32 $0x4000;
	s19 =	rddreg [dreg:$0x14]  }
0xd3: {  	[hbm4b:s19+s4] =	stream.indirect_vreg.scatter [tilespmem:s2], [sflag:$0x4], $0x80, v5, vm0, $0xb8;
	[tilespmem:$0x14800] =	vst v63  }
0xd4: {  	s21 =	simm.s32 $0x4800;
	s20 =	rddreg [dreg:$0x15]  }
0xd5: {  	[hbm4b:s20+s4] =	stream.indirect_vreg.scatter [tilespmem:s21], [sflag:$0x4], $0x80, v5, vm0, $0xb8;
	[tilespmem:$0x14800] =	vst v63  }
0xd6: {  	s30 =	simm.s32 $0x5000;
	s24 =	rddreg [dreg:$0x17]  }
0xd7: {  	[hbm4b:s24+s4] =	stream.indirect_vreg.scatter [tilespmem:s30], [sflag:$0x4], $0x80, v5, vm0, $0xb8;
	[tilespmem:$0x14800] =	vst v63  }
0xd8: {  	s12 =	simm.s32 $0x5800;
	s2 =	rddreg [dreg:$0x18]  }
0xd9: {  	[hbm4b:s2+s4] =	stream.indirect_vreg.scatter [tilespmem:s12], [sflag:$0x4], $0x80, v5, vm0, $0xb8;
	[tilespmem:$0x14800] =	vst v63  }
0xda: {  	s14 =	simm.s32 $0x6000;
	s13 =	rddreg [dreg:$0x19]  }
0xdb: {  	[hbm4b:s13+s4] =	stream.indirect_vreg.scatter [tilespmem:s14], [sflag:$0x4], $0x80, v5, vm0, $0xb8;
	[tilespmem:$0x14800] =	vst v63  }
0xdc: {  	s17 =	simm.s32 $0x6800;
	s16 =	rddreg [dreg:$0x1a]  }
0xdd: {  	[hbm4b:s16+s4] =	stream.indirect_vreg.scatter [tilespmem:s17], [sflag:$0x4], $0x80, v5, vm0, $0xb8;
	[tilespmem:$0x14800] =	vst v63  }
0xde: {  	s18 =	rddreg [dreg:$0x1b];
	s19 =	simm.s32 $0x7000  }
0xdf: {  	[hbm4b:s18+s4] =	stream.indirect_vreg.scatter [tilespmem:s19], [sflag:$0x4], $0x80, v5, vm0, $0xb8;
	[tilespmem:$0x14800] =	vst v63  }
0xe0: {  	s20 =	rddreg [dreg:$0x1c];
	s21 =	simm.s32 $0x7800  }
0xe1: {  	[hbm4b:s20+s4] =	stream.indirect_vreg.scatter [tilespmem:s21], [sflag:$0x4], $0x80, v5, vm0, $0xb8;
	[tilespmem:$0x14800] =	vst v63  }
0xe2: {  	s24 =	rddreg [dreg:$0x1d];
	s30 =	simm.s32 $0x8000  }
0xe3: {  	[hbm4b:s24+s4] =	stream.indirect_vreg.scatter [tilespmem:s30], [sflag:$0x4], $0x80, v5, vm0, $0xb8;
	[tilespmem:$0x14800] =	vst v63  }
0xe4: {  	s12 =	rddreg [dreg:$0x1e];
	s13 =	simm.s32 $0x8800  }
0xe5: {  	[hbm4b:s12+s4] =	stream.indirect_vreg.scatter [tilespmem:s13], [sflag:$0x4], $0x80, v5, vm0, $0xb8;
	[tilespmem:$0x14800] =	vst v63  }
0xe6: {  	s14 =	simm.s32 $0x9000  }
0xe7: {  	[hbm4b:s6+s4] =	stream.indirect_vreg.scatter [tilespmem:s14], [sflag:$0x4], $0x80, v5, vm0, $0xb8;
	[tilespmem:$0x14800] =	vst v63  }
0xe8: {  	s16 =	simm.s32 $0x9800  }
0xe9: {  	[hbm4b:s7+s4] =	stream.indirect_vreg.scatter [tilespmem:s16], [sflag:$0x4], $0x80, v5, vm0, $0xb8;
	[tilespmem:$0x14800] =	vst v63  }
0xea: {  	s17 =	simm.s32 $0xA000  }
0xeb: {  	[hbm4b:s25+s4] =	stream.indirect_vreg.scatter [tilespmem:s17], [sflag:$0x4], $0x80, v5, vm0, $0xb8;
	[tilespmem:$0x14800] =	vst v63  }
0xec: {  	s18 =	simm.s32 $0xA800  }
0xed: {  	[hbm4b:s3+s4] =	stream.indirect_vreg.scatter [tilespmem:s18], [sflag:$0x4], $0x80, v5, vm0, $0xb8;
	[tilespmem:$0x14800] =	vst v63  }
0xee: {  	s19 =	simm.s32 $0xB000  }
0xef: {  	[hbm4b:s1+s4] =	stream.indirect_vreg.scatter [tilespmem:s19], [sflag:$0x4], $0x80, v5, vm0, $0xb8;
	[tilespmem:$0x14800] =	vst v63  }
0xf0: {  	v5 =	vld.msk [tilespmem:s23+$0x1400], $0x1;
	_ =	sdelay $0x4  }
0xf1: {  	v6 =	vshll.u32 v5, $0x5  }
0xf2: {  	v5 =	vand.u32 $0x7, v5;
	v6 =	vand.u32 $0xFFFFFF00, v6  }
0xf3: {  	v5 =	vor.u32 v5, v6  }
0xf4: {  	v5 =	vperm.xlane v5, v3;
	_ =	sdelay $0x1  }
0xf5: {  	v5 =	vadd.s32 v4, v5;
	_ =	sdelay $0x3  }
0xf6: {  	s20 =	simm.s32 $0x13800  }
0xf7: {  	[tilespmem:s20], [sflag:$0x3] =	stream.indirect_vreg.gather [hbm4b:s5+s4], $0x80, v5, vm0, $0xb8;
	[tilespmem:$0x14800] =	vst v63  }
0xf8: {  	s21 =	simm.s32 $0x14000;
	s24 =	simm.s32 $0x2  }
0xf9: {  	[tilespmem:s21], [sflag:$0x3] =	stream.indirect_vreg.gather [hbm4b:s15+s4], $0x80, v5, vm0, $0xb8;
	[tilespmem:$0x14800] =	vst v63  }
0xfa: {  	_ =	swait.ge [sflag:s24], $0x8000  }
0xfb: {  	p0 =	seq.s32 s11, $0x10;
	[sflag:s24] =	ssyncset.done $0x0  }
0xfc: {  	s0 =	simm.s32 @!p0 $0x4;
	[sflag:s24] =	ssyncadd.s32 $0xFFFF8000  }
0xfd: {  	s12 =	sadd.s32 $0x2, s26;
	_ =	swait.ge @!p0 [sflag:s0], $0x8000  }
0xfe: {  	s2 =	sshll.u32 @!p0 s12, $0x7;
	[sflag:s0] =	ssyncset.done @!p0 $0x0  }
0xff: {  	[sflag:s0] =	ssyncadd.s32 @!p0 $0xFFFF8000;
	s0 =	sand.u32 @!p0 $0x3FFFFF80, s2  }
0x100: {  	v5 =	vld.msk @!p0 [tilespmem:s0+$0x0], $0xff;
	_ =	sdelay $0x4  }
0x101: {  	v6 =	vshll.u32 @!p0 v5, $0x5  }
0x102: {  	v7 =	vlaneseq.u32 @!p0;
	v5 =	vand.u32 @!p0 $0x7, v5;
	v6 =	vand.u32 @!p0 $0xFFFFFF00, v6  }
0x103: {  	v5 =	vor.u32 @!p0 v5, v6;
	v6 =	vand.u32 @!p0 $0x7, v7;
	v7 =	vshrl.u32 @!p0 v7, $0x3  }
0x104: {  	v5 =	vperm.xlane @!p0 v5, v6;
	v6 =	vmul.u32 @!p0 $0x8, v7;
	_ =	sdelay $0x1  }
0x105: {  	v5 =	vadd.s32 @!p0 v6, v5;
	_ =	sdelay $0x3  }
0x106: {  	vm1 =	vmmov @!p0 $0xffff;
	s2 =	simm.s32 @!p0 $0x3800;
	s0 =	simm.s32 @!p0 $0x0  }
0x107: {  	[tilespmem:s2], [sflag:$0x1] =	stream.indirect_vreg.gather @!p0 [hbm4b:s5+s0], $0x80, v5, vm1, $0xb8;
	[tilespmem:$0x14800] =	vst v63  }
0x108: {  	s31 =	smov.u32 s5;
	s2 =	simm.s32 @!p0 $0x4000;
	s5 =	rddreg [dreg:$0x7]  }
0x109: {  	[tilespmem:s2], [sflag:$0x1] =	stream.indirect_vreg.gather @!p0 [hbm4b:s5+s0], $0x80, v5, vm1, $0xb8;
	[tilespmem:$0x14800] =	vst v63  }
0x10a: {  	s2 =	simm.s32 @!p0 $0x4800;
	s5 =	rddreg [dreg:$0x8]  }
0x10b: {  	[tilespmem:s2], [sflag:$0x1] =	stream.indirect_vreg.gather @!p0 [hbm4b:s5+s0], $0x80, v5, vm1, $0xb8;
	[tilespmem:$0x14800] =	vst v63  }
0x10c: {  	s2 =	simm.s32 @!p0 $0x5000;
	s5 =	rddreg [dreg:$0x9]  }
0x10d: {  	[tilespmem:s2], [sflag:$0x1] =	stream.indirect_vreg.gather @!p0 [hbm4b:s5+s0], $0x80, v5, vm1, $0xb8;
	[tilespmem:$0x14800] =	vst v63  }
0x10e: {  	s2 =	simm.s32 @!p0 $0x5800;
	s5 =	rddreg [dreg:$0xa]  }
0x10f: {  	[tilespmem:s2], [sflag:$0x1] =	stream.indirect_vreg.gather @!p0 [hbm4b:s5+s0], $0x80, v5, vm1, $0xb8;
	[tilespmem:$0x14800] =	vst v63  }
0x110: {  	s2 =	simm.s32 @!p0 $0x6000;
	s5 =	rddreg [dreg:$0xb]  }
0x111: {  	[tilespmem:s2], [sflag:$0x1] =	stream.indirect_vreg.gather @!p0 [hbm4b:s5+s0], $0x80, v5, vm1, $0xb8;
	[tilespmem:$0x14800] =	vst v63  }
0x112: {  	s2 =	simm.s32 @!p0 $0x6800;
	s5 =	rddreg [dreg:$0xc]  }
0x113: {  	[tilespmem:s2], [sflag:$0x1] =	stream.indirect_vreg.gather @!p0 [hbm4b:s5+s0], $0x80, v5, vm1, $0xb8;
	[tilespmem:$0x14800] =	vst v63  }
0x114: {  	s2 =	simm.s32 @!p0 $0x7000;
	s5 =	rddreg [dreg:$0xd]  }
0x115: {  	[tilespmem:s2], [sflag:$0x1] =	stream.indirect_vreg.gather @!p0 [hbm4b:s5+s0], $0x80, v5, vm1, $0xb8;
	[tilespmem:$0x14800] =	vst v63  }
0x116: {  	s2 =	simm.s32 @!p0 $0x7800  }
0x117: {  	[tilespmem:s2], [sflag:$0x1] =	stream.indirect_vreg.gather @!p0 [hbm4b:s15+s0], $0x80, v5, vm1, $0xb8;
	[tilespmem:$0x14800] =	vst v63  }
0x118: {  	s5 =	rddreg [dreg:$0xe];
	s2 =	simm.s32 @!p0 $0x8000  }
0x119: {  	[tilespmem:s2], [sflag:$0x1] =	stream.indirect_vreg.gather @!p0 [hbm4b:s5+s0], $0x80, v5, vm1, $0xb8;
	[tilespmem:$0x14800] =	vst v63  }
0x11a: {  	s2 =	simm.s32 @!p0 $0x8800;
	s5 =	rddreg [dreg:$0xf]  }
0x11b: {  	[tilespmem:s2], [sflag:$0x1] =	stream.indirect_vreg.gather @!p0 [hbm4b:s5+s0], $0x80, v5, vm1, $0xb8;
	[tilespmem:$0x14800] =	vst v63  }
0x11c: {  	s2 =	simm.s32 @!p0 $0x9000;
	s5 =	rddreg [dreg:$0x10]  }
0x11d: {  	[tilespmem:s2], [sflag:$0x1] =	stream.indirect_vreg.gather @!p0 [hbm4b:s5+s0], $0x80, v5, vm1, $0xb8;
	[tilespmem:$0x14800] =	vst v63  }
0x11e: {  	s2 =	simm.s32 @!p0 $0x9800;
	s5 =	rddreg [dreg:$0x11]  }
0x11f: {  	[tilespmem:s2], [sflag:$0x1] =	stream.indirect_vreg.gather @!p0 [hbm4b:s5+s0], $0x80, v5, vm1, $0xb8;
	[tilespmem:$0x14800] =	vst v63  }
0x120: {  	s2 =	simm.s32 @!p0 $0xA000;
	s5 =	rddreg [dreg:$0x12]  }
0x121: {  	[tilespmem:s2], [sflag:$0x1] =	stream.indirect_vreg.gather @!p0 [hbm4b:s5+s0], $0x80, v5, vm1, $0xb8;
	[tilespmem:$0x14800] =	vst v63  }
0x122: {  	s2 =	simm.s32 @!p0 $0xA800;
	s5 =	rddreg [dreg:$0x13]  }
0x123: {  	[tilespmem:s2], [sflag:$0x1] =	stream.indirect_vreg.gather @!p0 [hbm4b:s5+s0], $0x80, v5, vm1, $0xb8;
	[tilespmem:$0x14800] =	vst v63  }
0x124: {  	s2 =	simm.s32 @!p0 $0xB000  }
0x125: {  	[tilespmem:s2], [sflag:$0x1] =	stream.indirect_vreg.gather @!p0 [hbm4b:s22+s0], $0x80, v5, vm1, $0xb8;
	[tilespmem:$0x14800] =	vst v63  }
0x126: {  	_ =	swait.ge [sflag:s10], $0x1000  }
0x127: {  	[sflag:s10] =	ssyncset.done $0x0  }
0x128: {  	s26 =	simm.s32 $0x2810;
	[sflag:s10] =	ssyncadd.s32 $0xFFFFF000  }
0x129: {  	v6 =	vld [tilespmem:s26+$0x0]  }
0x12a: {  	s13 =	simm.s32 $0x0  }
0x12b: {  	s30 =	sand.u32 $0x7C00, s13;
	s24 =	simm.s32 $0x10  }
0x12c: {  	s14 =	simm.s32 $0x13810;
	s18 =	sand.u32 $0x70, s24;
	v7 =	vmov s24;
	s5 =	sadd.s32 $0xB800, s30;
	v8 =	vld [tilespmem:s26+$0xFFFFFFF0]  }
0x12d: {  	v9 =	vor.u32 s24, v0;
	v11 =	vshll.u32 v7, $0x3;
	s2 =	sor.u32 s18, s5;
	v5 =	vld [tilespmem:s14+$0x0]  }
0x12e: {  	v16 =	vand.u32 $0x7F, v9;
	v7 =	vld [tilespmem:s2+$0x80];
	vm1 =	vlt.f32 v6, $5.000000000e-01;
	v6 =	vand.u32 $0x7C00, v11  }
0x12f: {  	s16 =	sand.u32 $0x7, s13;
	v9 =	vld [tilespmem:s2+$0x100];
	v10 =	vor.u32 v16, v6  }
0x130: {  	s16 =	sshll.u32 s16, $0x4;
	v12 =	vld [tilespmem:s2+$0x180];
	v13 =	vor.u32 $0x80, v10  }
0x131: {  	s16 =	sadd.s32 $0x10, s16;
	v17 =	vld [tilespmem:s2+$0x200];
	v15 =	vor.u32 $0x100, v10  }
0x132: {  	s17 =	sand.u32 $0x3, s13;
	s19 =	sor.u32 $0x300, s16;
	v18 =	vld [tilespmem:s2+$0x280];
	v20 =	vor.u32 $0x180, v10  }
0x133: {  	s17 =	sshll.u32 s17, $0x5;
	s20 =	sor.u32 $0x380, s16;
	s18 =	simm.s32 $0x0;
	v21 =	vld [tilespmem:s19+$0xB800]  }
0x134: {  	s21 =	sadd.s32 $0x0, s17;
	v14 =	vor.u32 s18, v0;
	v23 =	vld [tilespmem:s20+$0xB800];
	v6 =	vmov s18;
	v22 =	vor.u32 $0x200, v10;
	[tilespmem:v10+s9+$0x0] =	vst.idx.msk vm1, v7  }
0x135: {  	v25 =	vand.u32 $0x6F, v14;
	s26 =	sor.u32 $0x300, s21;
	v19 =	vshll.u32 v6, $0x3;
	v24 =	vor.u32 $0x280, v10;
	[tilespmem:v13+s9+$0x0] =	vst.idx.msk vm1, v9  }
0x136: {  	s16 =	sor.u32 $0x380, s21;
	s30 =	sand.u32 $0x60, s18;
	v16 =	vor.u32 v16, v11;
	v6 =	vld [tilespmem:s26+$0xB800];
	v26 =	vor.u32 $0x300, v10;
	v7 =	vand.u32 $0x7C00, v19;
	[tilespmem:v15+s9+$0x0] =	vst.idx.msk vm1, v12  }
0x137: {  	s29 =	sor.u32 s30, s5;
	v14 =	vor.u32 v25, v7;
	v7 =	vld [tilespmem:s16+$0xB800];
	[tilespmem:v20+s9+$0x0] =	vst.idx.msk vm1, v17;
	v20 =	vor.u32 $0x380, v16  }
0x138: {  	vm2 =	vlt.f32 v8, $5.000000000e-01;
	v25 =	vor.u32 v19, v25;
	v19 =	vld [tilespmem:s29+$0x80]  }
0x139: {  	vm2 =	vmmov vm2;
	v15 =	vor.u32 $0x80, v14;
	v17 =	vld [tilespmem:s29+$0x100];
	[tilespmem:v22+s9+$0x0] =	vst.idx.msk vm1, v18  }
0x13a: {  	s28 =	simm.s32 $0x2830;
	s17 =	simm.s32 $0x0;
	v13 =	vor.u32 $0x100, v14;
	v12 =	vor.u32 $0x180, v14;
	v9 =	vor.u32 $0x200, v14;
	v16 =	vld [tilespmem:s29+$0x200];
	[tilespmem:v24+s9+$0x0] =	vst.idx.msk vm1, v21  }
0x13b: {  	s18 =	simm.s32 $0x10;
	s26 =	simm.s32 $0x0;
	s16 =	simm.s32 $0x1;
	v10 =	vor.u32 $0x280, v14;
	v11 =	vor.u32 $0x300, v25;
	v8 =	vor.u32 $0x380, v25;
	v18 =	vld [tilespmem:s29+$0x180];
	[tilespmem:v26+s9+$0x0] =	vst.idx.msk vm1, v23  }
.LBB2_5:
0x13c: {  	s0 =	sand.u32 $0x3, s16;
	v21 =	vld [tilespmem:s28+$0x0];
	[tilespmem:v20+s9+$0x0] =	vst.idx.msk vm1, v5  }
0x13d: {  	s13 =	sadd.s32 $0x100, s13;
	s0 =	sshll.u32 s0, $0x5;
	v20 =	vld [tilespmem:s28+$0xFFFFFFF0]  }
0x13e: {  	s24 =	sadd.s32 $0x20, s24;
	s2 =	sand.u32 $0x7C00, s13;
	s0 =	sadd.s32 s0, s13;
	v22 =	vld [tilespmem:s29+$0x280]  }
0x13f: {  	s19 =	sand.u32 $0x70, s24;
	v23 =	vmov s24;
	s2 =	sadd.s32 $0xB800, s2;
	v24 =	vld [tilespmem:s14+$0xFFFFFFF0];
	[tilespmem:v14+s9+$0x0] =	vst.idx.msk vm2, v19;
	s14 =	sadd.s32 $0x20, s14  }
0x140: {  	s20 =	sadd.s32 $0xFFFFFFF0, s24;
	s21 =	sor.u32 $0x300, s0;
	v14 =	vor.u32 s24, v0;
	s19 =	sor.u32 s19, s2;
	v19 =	vshll.u32 v23, $0x3;
	v5 =	vld [tilespmem:s14+$0x0];
	[tilespmem:v15+s9+$0x0] =	vst.idx.msk vm2, v17  }
0x141: {  	s17 =	sadd.s32 $0x2, s17;
	s29 =	sand.u32 $0x60, s20;
	s0 =	sor.u32 $0x380, s0;
	vm1 =	vlt.f32 v21, $5.000000000e-01;
	v17 =	vld [tilespmem:s19+$0x80];
	v21 =	vand.u32 $0x7F, v14;
	v14 =	vand.u32 $0x7C00, v19;
	[tilespmem:v13+s9+$0x0] =	vst.idx.msk vm2, v18  }
0x142: {  	s30 =	sand.u32 $0x7, s17;
	s29 =	sor.u32 s29, s2;
	v15 =	vor.u32 s20, v0;
	v13 =	vmov s20;
	v18 =	vld [tilespmem:s19+$0x100];
	v23 =	vor.u32 v21, v14;
	[tilespmem:v12+s9+$0x0] =	vst.idx.msk vm2, v16  }
0x143: {  	s26 =	sadd.s32 $0x2, s26;
	s18 =	sadd.s32 $0x100, s18;
	s2 =	sshll.u32 s30, $0x4;
	v12 =	vand.u32 $0x6F, v15;
	v13 =	vshll.u32 v13, $0x3;
	v16 =	vld [tilespmem:s19+$0x180];
	v25 =	vor.u32 $0x80, v23;
	[tilespmem:v9+s9+$0x0] =	vst.idx.msk vm2, v22  }
0x144: {  	p1 =	slt.u32 s26, $0xFE;
	s2 =	sadd.s32 s2, s18;
	v9 =	vand.u32 $0x7C00, v13;
	v22 =	vor.u32 v13, v12;
	v27 =	vor.u32 $0x100, v23;
	v26 =	vld [tilespmem:s19+$0x200];
	[tilespmem:v10+s9+$0x0] =	vst.idx.msk vm2, v6  }
0x145: {  	vm3 =	vlt.f32 v20, $5.000000000e-01;
	v29 =	vor.u32 $0x180, v23;
	v14 =	vor.u32 v12, v9;
	v28 =	vld [tilespmem:s19+$0x280];
	s19 =	sor.u32 $0x300, s2;
	[tilespmem:v11+s9+$0x0] =	vst.idx.msk vm2, v7  }
0x146: {  	v31 =	vor.u32 $0x200, v23;
	v15 =	vor.u32 $0x80, v14;
	v13 =	vor.u32 $0x100, v14;
	s2 =	sor.u32 $0x380, s2;
	v30 =	vld [tilespmem:s19+$0xB800];
	[tilespmem:v8+s9+$0x0] =	vst.idx.msk vm2, v24  }
0x147: {  	v32 =	vor.u32 $0x280, v23;
	v12 =	vor.u32 $0x180, v14;
	v9 =	vor.u32 $0x200, v14;
	v24 =	vld [tilespmem:s2+$0xB800];
	[tilespmem:v23+s9+$0x0] =	vst.idx.msk vm1, v17  }
0x148: {  	v10 =	vor.u32 $0x280, v14;
	v23 =	vor.u32 $0x300, v23;
	v17 =	vor.u32 v21, v19;
	v6 =	vld [tilespmem:s21+$0xB800];
	[tilespmem:v25+s9+$0x0] =	vst.idx.msk vm1, v18  }
.Ltmp3:
0x149: {  	v11 =	vor.u32 $0x300, v22;
	v8 =	vor.u32 $0x380, v22;
	v20 =	vor.u32 $0x380, v17;
	v7 =	vld [tilespmem:s0+$0xB800];
	[tilespmem:v27+s9+$0x0] =	vst.idx.msk vm1, v16;
	(pc) =	sbr.rel @p1 .LBB2_5-.Ltmp3, $4  }
0x14a: {  	vm2 =	vmmov vm3;
	v19 =	vld [tilespmem:s29+$0x80];
	[tilespmem:v29+s9+$0x0] =	vst.idx.msk vm1, v26  }
0x14b: {  	v17 =	vld [tilespmem:s29+$0x100];
	[tilespmem:v31+s9+$0x0] =	vst.idx.msk vm1, v28  }
0x14c: {  	v18 =	vld [tilespmem:s29+$0x180];
	[tilespmem:v32+s9+$0x0] =	vst.idx.msk vm1, v30  }
0x14d: {  	s16 =	sadd.s32 $0x1, s16;
	s28 =	sadd.s32 $0x20, s28;
	v16 =	vld [tilespmem:s29+$0x200];
	[tilespmem:v23+s9+$0x0] =	vst.idx.msk vm1, v24  }
0x14e: {  	_ =	sdelay $0x4  }
0x14f: {  	v21 =	vld [tilespmem:s29+$0x280];
	[tilespmem:v20+s9+$0x0] =	vst.idx.msk vm1, v5  }
0x150: {  	v22 =	vld [tilespmem:s14+$0xFFFFFFF0];
	[tilespmem:v14+s9+$0x0] =	vst.idx.msk vm2, v19  }
0x151: {  	[tilespmem:v15+s9+$0x0] =	vst.idx.msk vm2, v17  }
0x152: {  	[tilespmem:v13+s9+$0x0] =	vst.idx.msk vm2, v18  }
0x153: {  	[tilespmem:v12+s9+$0x0] =	vst.idx.msk vm2, v16  }
0x154: {  	[tilespmem:v9+s9+$0x0] =	vst.idx.msk vm2, v21  }
0x155: {  	[tilespmem:v10+s9+$0x0] =	vst.idx.msk vm2, v6  }
0x156: {  	[tilespmem:v11+s9+$0x0] =	vst.idx.msk vm2, v7  }
0x157: {  	[tilespmem:v8+s9+$0x0] =	vst.idx.msk vm2, v22  }
0x158: {  	v5 =	vld.msk [tilespmem:s23+$0x0], $0xff;
	_ =	sdelay $0x4  }
0x159: {  	v6 =	vshll.u32 v5, $0x5  }
0x15a: {  	v5 =	vand.u32 $0x7, v5;
	v6 =	vand.u32 $0xFFFFFF00, v6  }
0x15b: {  	v5 =	vor.u32 v5, v6  }
0x15c: {  	v5 =	vperm.xlane v5, v1;
	_ =	sdelay $0x1  }
0x15d: {  	v5 =	vadd.s32 v2, v5;
	_ =	sdelay $0x3  }
0x15e: {  	s0 =	rddreg [dreg:$0x2]  }
0x15f: {  	[hbm4b:s0+s4] =	stream.indirect_vreg.scatter [tilespmem:s9], [sflag:$0x5], $0x80, v5, vm0, $0xb8;
	[tilespmem:$0x14800] =	vst v63  }
0x160: {  	s16 =	simm.s32 $0xC000;
	s23 =	rddreg [dreg:$0x14]  }
0x161: {  	[hbm4b:s23+s4] =	stream.indirect_vreg.scatter [tilespmem:s16], [sflag:$0x5], $0x80, v5, vm0, $0xb8;
	[tilespmem:$0x14800] =	vst v63  }
0x162: {  	s17 =	simm.s32 $0xC800;
	s24 =	rddreg [dreg:$0x15]  }
0x163: {  	[hbm4b:s24+s4] =	stream.indirect_vreg.scatter [tilespmem:s17], [sflag:$0x5], $0x80, v5, vm0, $0xb8;
	[tilespmem:$0x14800] =	vst v63  }
0x164: {  	s18 =	simm.s32 $0xD000;
	s26 =	rddreg [dreg:$0x17]  }
0x165: {  	[hbm4b:s26+s4] =	stream.indirect_vreg.scatter [tilespmem:s18], [sflag:$0x5], $0x80, v5, vm0, $0xb8;
	[tilespmem:$0x14800] =	vst v63  }
0x166: {  	s19 =	simm.s32 $0xD800;
	s2 =	rddreg [dreg:$0x18]  }
0x167: {  	[hbm4b:s2+s4] =	stream.indirect_vreg.scatter [tilespmem:s19], [sflag:$0x5], $0x80, v5, vm0, $0xb8;
	[tilespmem:$0x14800] =	vst v63  }
0x168: {  	s20 =	simm.s32 $0xE000;
	s5 =	rddreg [dreg:$0x19]  }
0x169: {  	[hbm4b:s5+s4] =	stream.indirect_vreg.scatter [tilespmem:s20], [sflag:$0x5], $0x80, v5, vm0, $0xb8;
	[tilespmem:$0x14800] =	vst v63  }
0x16a: {  	s21 =	simm.s32 $0xE800;
	s13 =	rddreg [dreg:$0x1a]  }
0x16b: {  	[hbm4b:s13+s4] =	stream.indirect_vreg.scatter [tilespmem:s21], [sflag:$0x5], $0x80, v5, vm0, $0xb8;
	[tilespmem:$0x14800] =	vst v63  }
0x16c: {  	s14 =	rddreg [dreg:$0x1b];
	s26 =	simm.s32 $0xF000  }
0x16d: {  	[hbm4b:s14+s4] =	stream.indirect_vreg.scatter [tilespmem:s26], [sflag:$0x5], $0x80, v5, vm0, $0xb8;
	[tilespmem:$0x14800] =	vst v63  }
0x16e: {  	s28 =	simm.s32 $0xF800;
	s23 =	rddreg [dreg:$0x1c]  }
0x16f: {  	[hbm4b:s23+s4] =	stream.indirect_vreg.scatter [tilespmem:s28], [sflag:$0x5], $0x80, v5, vm0, $0xb8;
	[tilespmem:$0x14800] =	vst v63  }
0x170: {  	s29 =	simm.s32 $0x10000;
	s24 =	rddreg [dreg:$0x1d]  }
0x171: {  	[hbm4b:s24+s4] =	stream.indirect_vreg.scatter [tilespmem:s29], [sflag:$0x5], $0x80, v5, vm0, $0xb8;
	[tilespmem:$0x14800] =	vst v63  }
0x172: {  	s30 =	simm.s32 $0x10800;
	s2 =	rddreg [dreg:$0x1e]  }
0x173: {  	[hbm4b:s2+s4] =	stream.indirect_vreg.scatter [tilespmem:s30], [sflag:$0x5], $0x80, v5, vm0, $0xb8;
	[tilespmem:$0x14800] =	vst v63  }
0x174: {  	s5 =	simm.s32 $0x11000  }
0x175: {  	[hbm4b:s6+s4] =	stream.indirect_vreg.scatter [tilespmem:s5], [sflag:$0x5], $0x80, v5, vm0, $0xb8;
	[tilespmem:$0x14800] =	vst v63  }
0x176: {  	s13 =	simm.s32 $0x11800  }
0x177: {  	[hbm4b:s7+s4] =	stream.indirect_vreg.scatter [tilespmem:s13], [sflag:$0x5], $0x80, v5, vm0, $0xb8;
	[tilespmem:$0x14800] =	vst v63  }
0x178: {  	s14 =	simm.s32 $0x12000  }
0x179: {  	[hbm4b:s25+s4] =	stream.indirect_vreg.scatter [tilespmem:s14], [sflag:$0x5], $0x80, v5, vm0, $0xb8;
	[tilespmem:$0x14800] =	vst v63  }
.Ltmp4:
0x17a: {  	_ = 	snop;
	(pc) =	sbr.rel @p0 .LBB2_8-.Ltmp4, $4  }
0x17b: {  	s23 =	simm.s32 $0x12800  }
0x17c: {  	[hbm4b:s3+s4] =	stream.indirect_vreg.scatter [tilespmem:s23], [sflag:$0x5], $0x80, v5, vm0, $0xb8;
	[tilespmem:$0x14800] =	vst v63  }
0x17d: {  	s24 =	simm.s32 $0x13000  }
0x17e: {  	[hbm4b:s1+s4] =	stream.indirect_vreg.scatter [tilespmem:s24], [sflag:$0x5], $0x80, v5, vm0, $0xb8;
	[tilespmem:$0x14800] =	vst v63  }
0x17f: {  	s0 =	sshll.u32 s12, $0x7  }
0x180: {  	s0 =	sand.u32 $0x3FFFFF80, s0  }
0x181: {  	v5 =	vld.msk [tilespmem:s0+$0x1400], $0x1;
	_ =	sdelay $0x4  }
0x182: {  	v6 =	vshll.u32 v5, $0x5  }
0x183: {  	v5 =	vand.u32 $0x7, v5;
	v6 =	vand.u32 $0xFFFFFF00, v6  }
0x184: {  	v5 =	vor.u32 v5, v6  }
0x185: {  	v5 =	vperm.xlane v5, v3;
	_ =	sdelay $0x1  }
0x186: {  	v5 =	vadd.s32 v4, v5;
	_ =	sdelay $0x2  }
.Ltmp5:
0x187: {  	_ = 	snop;
	(pc) =	sbr.rel .LBB2_2-.Ltmp5, $4  }
0x188: {  	s23 =	simm.s32 $0x13800  }
0x189: {  	[tilespmem:s23], [sflag:$0x3] =	stream.indirect_vreg.gather [hbm4b:s31+s4], $0x80, v5, vm0, $0xb8;
	[tilespmem:$0x14800] =	vst v63  }
0x18a: {  	s24 =	simm.s32 $0x14000;
	s11 =	sadd.s32 $0x1, s11  }
0x18b: {  	[tilespmem:s24], [sflag:$0x3] =	stream.indirect_vreg.gather [hbm4b:s15+s4], $0x80, v5, vm0, $0xb8;
	[tilespmem:$0x14800] =	vst v63  }
.LBB2_9:
0x18c: {  	_ =	sfence.sel $0x180000  }
0x18d: {  	[bflag:$0x0] =	sbarrier.arrive $0xFFFF  }
0x18e: {  	_ =	strace $0x90000047  }
0x18f: {  	s0 =	stileid.u32;
	[bflag:$0x2] =	sbarrier.arrive $0xFFFF  }
0x190: {  	p0 =	sne.s32 s0, $0x0;
	s0 =	rddreg [dreg:$0x3]  }
0x191: {  	s0 =	sadd.s32 @!p0 $0x100000, s0  }
0x192: {  	[sflag:s0] =	ssyncadd.tile.s32 @!p0 $0x1;
	_ =	shalt  }
.Lfunc_end2:
_tile_overlayer_lowered:
.L_overlay_start_2:
0x193: {  	(tag) =	ssettag $0x2  }
0x194: {  	s0 =	rddreg [dreg:$0x0];
	s2 =	stileid.u32  }
0x195: {  	s1 =	rddreg [dreg:$0x1];
	p0 =	sne.s32 s2, $0x0  }
0x196: {  	s3 =	rddreg [dreg:$0x2];
	[bflag:$0x3] =	sbarrier.arrive $0xFFFF;
	s2 =	simm.s32 @!p0 $0x1C06  }
0x197: {  	[timem:s3], [sflag:s2] =	dma.local @!p0 [hbm:s0], s1  }
0x198: {  	s0 =	simm.s32 @!p0 $0x6  }
0x199: {  	_ =	swait.ge @!p0 [sflag:s0], s1  }
0x19a: {  	s1 =	ssub.s32 @!p0 $0x0, s1;
	[sflag:s0] =	ssyncset.done @!p0 $0x0  }
0x19b: {  	[sflag:s0] =	ssyncadd.s32 @!p0 s1  }
0x19c: {  	[bflag:$0x3] =	sbarrier.arrive $0xFFFF  }
0x19d: {  	_ =	shalt  }

</sc_bundles>
